<compile_context>
chip_gen: v7x
topology: tpu7x:2x2x1
jax: 0.10.2.dev20260603
libtpu: 0.0.44.dev20260713+nightly
codegen_flags: <defaults>
</compile_context>

<pallas_src>
import functools

import jax
import jax.numpy as jnp
from jax import lax
from jax.experimental import pallas as pl
from jax.experimental.pallas import tpu as pltpu
from jax.experimental.pallas import tpu_sc as plsc

_NW = 32
_LANES = 16
_N_AST = 100000


def _build_src_map(key_i32, val_i32, n_ast, n_cfg):
    m = key_i32.shape[0]
    assert m % _LANES == 0
    per = -(-n_ast // (_NW * _LANES)) * _LANES
    s_pad = per * _NW
    mesh = plsc.VectorSubcoreMesh(core_axis_name="c", subcore_axis_name="s")

    @functools.partial(
        pl.kernel,
        out_type=jax.ShapeDtypeStruct((s_pad,), jnp.int32),
        mesh=mesh,
        scratch_types=[
            pltpu.VMEM((m,), jnp.int32),
            pltpu.VMEM((m,), jnp.int32),
            pltpu.VMEM((per,), jnp.int32),
        ],
        compiler_params=pltpu.CompilerParams(needs_layout_passes=False),
    )
    def build(key_hbm, val_hbm, src_hbm, keys_v, vals_v, s_v):
        wid = lax.axis_index("s") * 2 + lax.axis_index("c")
        lo = wid * per

        def init_body(i, _):
            s_v[pl.ds(i * _LANES, _LANES)] = jnp.full((_LANES,), n_cfg, jnp.int32)
            return _

        lax.fori_loop(0, per // _LANES, init_body, None)

        pltpu.sync_copy(key_hbm, keys_v)
        pltpu.sync_copy(val_hbm, vals_v)

        def scan_body(i, _):
            k16 = keys_v[pl.ds(i * _LANES, _LANES)]
            inr = (k16 >= lo) & (k16 < lo + per)
            loc = jnp.where(inr, k16 - lo, 0)
            v16 = vals_v[pl.ds(i * _LANES, _LANES)]
            plsc.store_scatter(s_v, [loc], v16, mask=inr)
            return _

        lax.fori_loop(0, m // _LANES, scan_body, None)

        pltpu.sync_copy(s_v, src_hbm.at[pl.ds(lo, per)])

    return build(key_i32, val_i32)


def _lookup_rows(src_map, path_pad):
    nt_pad = path_pad.shape[0]
    s_pad = src_map.shape[0]
    per = nt_pad // _NW
    nrow = per // 128
    assert per * _NW == nt_pad and nrow * 128 == per
    mesh = plsc.VectorSubcoreMesh(core_axis_name="c", subcore_axis_name="s")

    @functools.partial(
        pl.kernel,
        out_type=jax.ShapeDtypeStruct((nt_pad // 128, 128), jnp.int32),
        mesh=mesh,
        scratch_types=[
            pltpu.VMEM((s_pad,), jnp.int32),
            pltpu.VMEM((per,), jnp.int32),
            pltpu.VMEM((nrow, 128), jnp.int32),
        ],
        compiler_params=pltpu.CompilerParams(needs_layout_passes=False),
    )
    def lookup(src_hbm, path_hbm, g_hbm, src_v, pidx_v, g_v):
        wid = lax.axis_index("s") * 2 + lax.axis_index("c")
        pltpu.sync_copy(src_hbm, src_v)
        pltpu.sync_copy(path_hbm.at[pl.ds(wid * per, per)], pidx_v)

        def body(r, _):
            for k in range(128 // _LANES):
                p16 = pidx_v[pl.ds(r * 128 + k * _LANES, _LANES)]
                g_v[r, pl.ds(k * _LANES, _LANES)] = plsc.load_gather(src_v, [p16])
            return _

        lax.fori_loop(0, nrow, body, None)
        pltpu.sync_copy(g_v, g_hbm.at[pl.ds(wid * nrow, nrow)])

    return lookup(src_map, path_pad)


def _gather_cat_project(prev2d, g_row, cfg_ext, w1, w2, b2d):
    nt, d = prev2d.shape
    nc = cfg_ext.shape[0]
    blk = 2000
    assert nt % blk == 0

    def body(g_ref, prev_ref, cfg_ref, w1_ref, w2_ref, b_ref, out_ref, upd_ref):
        def gather_one(i, _):
            s = g_ref[0, 0, i]
            upd_ref[pl.ds(i, 1), :] = cfg_ref[pl.ds(s, 1), :]
            return _

        lax.fori_loop(0, blk, gather_one, None, unroll=8)
        acc = jnp.dot(prev_ref[...], w1_ref[...], preferred_element_type=jnp.float32)
        acc += jnp.dot(upd_ref[...], w2_ref[...], preferred_element_type=jnp.float32)
        out_ref[...] = jnp.maximum(acc + b_ref[...], 0.0)

    return pl.pallas_call(
        body,
        grid=(nt // blk,),
        in_specs=[
            pl.BlockSpec((1, 1, blk), lambda i: (i, 0, 0),
                         memory_space=pltpu.SMEM),
            pl.BlockSpec((blk, d), lambda i: (i, 0)),
            pl.BlockSpec((nc, d), lambda i: (0, 0)),
            pl.BlockSpec((d, d), lambda i: (0, 0)),
            pl.BlockSpec((d, d), lambda i: (0, 0)),
            pl.BlockSpec((1, d), lambda i: (0, 0)),
        ],
        out_specs=pl.BlockSpec((blk, d), lambda i: (i, 0)),
        out_shape=jax.ShapeDtypeStruct((nt, d), jnp.float32),
        scratch_shapes=[pltpu.VMEM((blk, d), jnp.float32)],
        compiler_params=pltpu.CompilerParams(
            vmem_limit_bytes=60 * 1024 * 1024),
    )(g_row, prev2d, cfg_ext, w1, w2, b2d)


def kernel(nr_ast_nodes, prev_nodes_occurrences, new_cfg_nodes_encodings,
           mapping_value_indices, mapping_key_indices, path_node_indices, W, b):
    p, l, d = prev_nodes_occurrences.shape
    n_cfg = new_cfg_nodes_encodings.shape[0]
    nt = p * l

    key_i32 = jnp.minimum(mapping_key_indices, nr_ast_nodes - 1).astype(jnp.int32)
    val_i32 = mapping_value_indices.astype(jnp.int32)
    nt_pad = -(-nt // (_NW * 128)) * _NW * 128
    path_pad = jnp.pad(path_node_indices.reshape(nt).astype(jnp.int32),
                       (0, nt_pad - nt))
    cfg_ext = jnp.concatenate(
        [new_cfg_nodes_encodings,
         jnp.zeros((8, d), new_cfg_nodes_encodings.dtype)], axis=0)

    src_map = _build_src_map(key_i32, val_i32, _N_AST, n_cfg)
    g2d = _lookup_rows(src_map, path_pad)
    g_row = g2d.reshape(nt_pad)[:nt].reshape(nt // 2000, 1, 2000)

    prev2d = prev_nodes_occurrences.reshape(nt, d)
    out2d = _gather_cat_project(prev2d, g_row, cfg_ext, W[:d], W[d:],
                                b.reshape(1, d))
    return out2d.reshape(p, l, d)

# --- scband reference (transcript-rebuilt; emitter-appended) ---
"""Pipeline reference for scband-macro-context-adder-to-sub-astpaths-2705829396961 (READ-ONLY COPY).

The authoritative reference and input builder live on the scoring server;
editing this copy changes nothing except your own understanding.
"""

import jax, jax.numpy as jnp
import numpy as np

N_AST = 100000
N_CFG = 50000
M_MAP = 50000
N_PATHS = 10000
PATH_LEN = 16
D = 128


def setup_inputs(seed: int = 0) -> dict:
    key = jax.random.key(seed)
    ks = jax.random.split(key, 8)
    prev = jax.random.normal(ks[0], (N_PATHS, PATH_LEN, D), dtype=jnp.float32)
    cfg = jax.random.normal(ks[1], (N_CFG, D), dtype=jnp.float32)
    map_val = jax.random.randint(ks[2], (M_MAP,), 0, N_CFG, dtype=jnp.int64)
    map_key = jax.random.randint(ks[3], (M_MAP,), 0, N_AST, dtype=jnp.int64)
    path_idx = jax.random.randint(ks[4], (N_PATHS, PATH_LEN), 0, N_AST, dtype=jnp.int64)
    # StateUpdater ('cat-project'): Linear(2D -> D) over concat(prev_state, update), then relu
    W = jax.random.normal(ks[5], (2 * D, D), dtype=jnp.float32) * (1.0 / np.sqrt(2 * D))
    b = jnp.zeros((D,), dtype=jnp.float32)
    return {
        "nr_ast_nodes": N_AST,
        "prev_nodes_occurrences": prev,
        "new_cfg_nodes_encodings": cfg,
        "mapping_value_indices": map_val,
        "mapping_key_indices": map_key,
        "path_node_indices": path_idx,
        "W": W,
        "b": b,
    }


def reference(nr_ast_nodes, prev_nodes_occurrences, new_cfg_nodes_encodings,
              mapping_value_indices, mapping_key_indices, path_node_indices, W, b):
    d = new_cfg_nodes_encodings.shape[-1]
    # gather cfg-node encodings ordered by ast->pdg mapping values
    gathered = jnp.take(new_cfg_nodes_encodings, mapping_value_indices, axis=0)  # [M, D]
    # scatter (overwrite) into per-AST-node memory
    key_indices = jnp.minimum(mapping_key_indices, nr_ast_nodes - 1)
    scattered = jnp.zeros((N_AST, d), dtype=new_cfg_nodes_encodings.dtype)
    scattered = scattered.at[key_indices].set(gathered)  # [N_AST, D]
    # gather macro-context update per AST-path node occurrence
    state_update = jnp.take(scattered, path_node_indices, axis=0)  # [P, L, D]
    # StateUpdater cat-project: relu(Linear(concat(prev, update))) (dropout off in eval)
    cat = jnp.concatenate([prev_nodes_occurrences, state_update], axis=-1)  # [P, L, 2D]
    new_nodes_occurrences = jax.nn.relu(jnp.einsum('plc,cd->pld', cat, W) + b)
    return new_nodes_occurrences

if __name__ == "__main__":
    import jax
    _d = setup_inputs()
    print(jax.jit(kernel)(*tuple(_d.values())))

</pallas_src>

<mosaic_0001>
#map = affine_map<(d0, d1) -> (0)>
#map1 = affine_map<(d0, d1) -> (0, 0)>
module attributes {stable_mosaic.version = 14 : i64} {
  func.func @lookup(%arg0: i32, %arg1: i32, %arg2: memref<100352xi32, #tpu.memory_space<hbm>>, %arg3: memref<163840xi32, #tpu.memory_space<hbm>>, %arg4: memref<1280x128xi32, #tpu.memory_space<hbm>>, %arg5: memref<100352xi32, #tpu.memory_space<vmem>>, %arg6: memref<5120xi32, #tpu.memory_space<vmem>>, %arg7: memref<40x128xi32, #tpu.memory_space<vmem>>) attributes {dimension_semantics = [#tpu.dimension_semantics<core_parallel>, #tpu.dimension_semantics<subcore_parallel>], iteration_bounds = array<i64: 2, 16>, scalar_prefetch = 0 : i64, scratch_operands = 3 : i64, tpu.core_type = #tpu.core_type<sc_vector_subcore>, window_params = [{transform_indices = #map}, {transform_indices = #map}, {transform_indices = #map1}]} {
    %mul3A = arith.constant 2 : i32
    %mul3A_0 = arith.muli %arg1, %mul3A : i32
    %add3A = arith.addi %mul3A_0, %arg0 : i32
    "tpu.region"() ({
      %run_scoped3A = tpu.sem_alloc : memref<!tpu.dma_semaphore, #tpu.memory_space<semaphore_mem>>
      tpu.enqueue_dma source(%arg2 : memref<100352xi32, #tpu.memory_space<hbm>>) target(%arg5 : memref<100352xi32, #tpu.memory_space<vmem>>) target_semaphore(%run_scoped3A : memref<!tpu.dma_semaphore, #tpu.memory_space<semaphore_mem>>)
      tpu.wait_dma2 semaphore(%run_scoped3A : memref<!tpu.dma_semaphore, #tpu.memory_space<semaphore_mem>>) src(%arg2 : memref<100352xi32, #tpu.memory_space<hbm>>) dst(%arg5 : memref<100352xi32, #tpu.memory_space<vmem>>)
      tpu.yield
    }) : () -> ()
    %mul3A_1 = arith.constant 5120 : i32
    %mul3A_2 = arith.muli %add3A, %mul3A_1 : i32
    "tpu.region"() ({
      %run_scoped3A = tpu.sem_alloc : memref<!tpu.dma_semaphore, #tpu.memory_space<semaphore_mem>>
      %dma_start3A = tpu.memref_slice %arg3[%mul3A_2] : memref<163840xi32, #tpu.memory_space<hbm>> -> memref<5120xi32, #tpu.memory_space<hbm>>
      %dma_start3A_9 = tpu.memref_slice %arg3[%mul3A_2] : memref<163840xi32, #tpu.memory_space<hbm>> -> memref<5120xi32, #tpu.memory_space<hbm>>
      tpu.enqueue_dma source(%dma_start3A_9 : memref<5120xi32, #tpu.memory_space<hbm>>) target(%arg6 : memref<5120xi32, #tpu.memory_space<vmem>>) target_semaphore(%run_scoped3A : memref<!tpu.dma_semaphore, #tpu.memory_space<semaphore_mem>>)
      %dma_wait3A = tpu.memref_slice %arg3[%mul3A_2] : memref<163840xi32, #tpu.memory_space<hbm>> -> memref<5120xi32, #tpu.memory_space<hbm>>
      %dma_wait3A_10 = tpu.memref_slice %arg3[%mul3A_2] : memref<163840xi32, #tpu.memory_space<hbm>> -> memref<5120xi32, #tpu.memory_space<hbm>>
      tpu.wait_dma2 semaphore(%run_scoped3A : memref<!tpu.dma_semaphore, #tpu.memory_space<semaphore_mem>>) src(%dma_wait3A_10 : memref<5120xi32, #tpu.memory_space<hbm>>) dst(%arg6 : memref<5120xi32, #tpu.memory_space<vmem>>)
      tpu.yield
    }) : () -> ()
    %scan3A = arith.constant 0 : i32
    %scan3A_3 = arith.constant 40 : i32
    %scan3A_4 = arith.addi %scan3A, %scan3A_3 : i32
    %scan3A_5 = arith.constant 1 : i32
    scf.for %scan3A_9 = %scan3A to %scan3A_4 step %scan3A_5  : i32 {
      %mul3A_10 = arith.constant 128 : i32
      %mul3A_11 = arith.muli %scan3A_9, %mul3A_10 : i32
      %add3A_12 = arith.constant 0 : i32
      %add3A_13 = arith.addi %mul3A_11, %add3A_12 : i32
      %get3A = arith.index_cast %add3A_13 : i32 to index
      %get3A_14 = tpu.vector_load %arg6[%get3A] {strides = array<i32>} : memref<5120xi32, #tpu.memory_space<vmem>>, vector<16xi32>,
      %gather3A = tpu.vector_load_idx %arg5[%get3A_14] : memref<100352xi32, #tpu.memory_space<vmem>>[vector<16xi32>], vector<16xi32>,
      %swap3A = arith.index_cast %scan3A_9 : i32 to index
      %swap3A_15 = arith.constant 0 : index
      %swap3A_16 = tpu.vector_load %arg7[%swap3A, %swap3A_15] {strides = array<i32>} : memref<40x128xi32, #tpu.memory_space<vmem>>, vector<16xi32>,
      tpu.vector_store %arg7[%swap3A, %swap3A_15], %gather3A {strides = array<i32>} : memref<40x128xi32, #tpu.memory_space<vmem>>, vector<16xi32>,
      %mul3A_17 = arith.constant 128 : i32
      %mul3A_18 = arith.muli %scan3A_9, %mul3A_17 : i32
      %add3A_19 = arith.constant 16 : i32
      %add3A_20 = arith.addi %mul3A_18, %add3A_19 : i32
      %get3A_21 = arith.index_cast %add3A_20 : i32 to index
      %get3A_22 = tpu.vector_load %arg6[%get3A_21] {strides = array<i32>} : memref<5120xi32, #tpu.memory_space<vmem>>, vector<16xi32>,
      %gather3A_23 = tpu.vector_load_idx %arg5[%get3A_22] : memref<100352xi32, #tpu.memory_space<vmem>>[vector<16xi32>], vector<16xi32>,
      %swap3A_24 = arith.index_cast %scan3A_9 : i32 to index
      %swap3A_25 = arith.constant 16 : index
      %swap3A_26 = tpu.vector_load %arg7[%swap3A_24, %swap3A_25] {strides = array<i32>} : memref<40x128xi32, #tpu.memory_space<vmem>>, vector<16xi32>,
      tpu.vector_store %arg7[%swap3A_24, %swap3A_25], %gather3A_23 {strides = array<i32>} : memref<40x128xi32, #tpu.memory_space<vmem>>, vector<16xi32>,
      %mul3A_27 = arith.constant 128 : i32
      %mul3A_28 = arith.muli %scan3A_9, %mul3A_27 : i32
      %add3A_29 = arith.constant 32 : i32
      %add3A_30 = arith.addi %mul3A_28, %add3A_29 : i32
      %get3A_31 = arith.index_cast %add3A_30 : i32 to index
      %get3A_32 = tpu.vector_load %arg6[%get3A_31] {strides = array<i32>} : memref<5120xi32, #tpu.memory_space<vmem>>, vector<16xi32>,
      %gather3A_33 = tpu.vector_load_idx %arg5[%get3A_32] : memref<100352xi32, #tpu.memory_space<vmem>>[vector<16xi32>], vector<16xi32>,
      %swap3A_34 = arith.index_cast %scan3A_9 : i32 to index
      %swap3A_35 = arith.constant 32 : index
      %swap3A_36 = tpu.vector_load %arg7[%swap3A_34, %swap3A_35] {strides = array<i32>} : memref<40x128xi32, #tpu.memory_space<vmem>>, vector<16xi32>,
      tpu.vector_store %arg7[%swap3A_34, %swap3A_35], %gather3A_33 {strides = array<i32>} : memref<40x128xi32, #tpu.memory_space<vmem>>, vector<16xi32>,
      %mul3A_37 = arith.constant 128 : i32
      %mul3A_38 = arith.muli %scan3A_9, %mul3A_37 : i32
      %add3A_39 = arith.constant 48 : i32
      %add3A_40 = arith.addi %mul3A_38, %add3A_39 : i32
      %get3A_41 = arith.index_cast %add3A_40 : i32 to index
      %get3A_42 = tpu.vector_load %arg6[%get3A_41] {strides = array<i32>} : memref<5120xi32, #tpu.memory_space<vmem>>, vector<16xi32>,
      %gather3A_43 = tpu.vector_load_idx %arg5[%get3A_42] : memref<100352xi32, #tpu.memory_space<vmem>>[vector<16xi32>], vector<16xi32>,
      %swap3A_44 = arith.index_cast %scan3A_9 : i32 to index
      %swap3A_45 = arith.constant 48 : index
      %swap3A_46 = tpu.vector_load %arg7[%swap3A_44, %swap3A_45] {strides = array<i32>} : memref<40x128xi32, #tpu.memory_space<vmem>>, vector<16xi32>,
      tpu.vector_store %arg7[%swap3A_44, %swap3A_45], %gather3A_43 {strides = array<i32>} : memref<40x128xi32, #tpu.memory_space<vmem>>, vector<16xi32>,
      %mul3A_47 = arith.constant 128 : i32
      %mul3A_48 = arith.muli %scan3A_9, %mul3A_47 : i32
      %add3A_49 = arith.constant 64 : i32
      %add3A_50 = arith.addi %mul3A_48, %add3A_49 : i32
      %get3A_51 = arith.index_cast %add3A_50 : i32 to index
      %get3A_52 = tpu.vector_load %arg6[%get3A_51] {strides = array<i32>} : memref<5120xi32, #tpu.memory_space<vmem>>, vector<16xi32>,
      %gather3A_53 = tpu.vector_load_idx %arg5[%get3A_52] : memref<100352xi32, #tpu.memory_space<vmem>>[vector<16xi32>], vector<16xi32>,
      %swap3A_54 = arith.index_cast %scan3A_9 : i32 to index
      %swap3A_55 = arith.constant 64 : index
      %swap3A_56 = tpu.vector_load %arg7[%swap3A_54, %swap3A_55] {strides = array<i32>} : memref<40x128xi32, #tpu.memory_space<vmem>>, vector<16xi32>,
      tpu.vector_store %arg7[%swap3A_54, %swap3A_55], %gather3A_53 {strides = array<i32>} : memref<40x128xi32, #tpu.memory_space<vmem>>, vector<16xi32>,
      %mul3A_57 = arith.constant 128 : i32
      %mul3A_58 = arith.muli %scan3A_9, %mul3A_57 : i32
      %add3A_59 = arith.constant 80 : i32
      %add3A_60 = arith.addi %mul3A_58, %add3A_59 : i32
      %get3A_61 = arith.index_cast %add3A_60 : i32 to index
      %get3A_62 = tpu.vector_load %arg6[%get3A_61] {strides = array<i32>} : memref<5120xi32, #tpu.memory_space<vmem>>, vector<16xi32>,
      %gather3A_63 = tpu.vector_load_idx %arg5[%get3A_62] : memref<100352xi32, #tpu.memory_space<vmem>>[vector<16xi32>], vector<16xi32>,
      %swap3A_64 = arith.index_cast %scan3A_9 : i32 to index
      %swap3A_65 = arith.constant 80 : index
      %swap3A_66 = tpu.vector_load %arg7[%swap3A_64, %swap3A_65] {strides = array<i32>} : memref<40x128xi32, #tpu.memory_space<vmem>>, vector<16xi32>,
      tpu.vector_store %arg7[%swap3A_64, %swap3A_65], %gather3A_63 {strides = array<i32>} : memref<40x128xi32, #tpu.memory_space<vmem>>, vector<16xi32>,
      %mul3A_67 = arith.constant 128 : i32
      %mul3A_68 = arith.muli %scan3A_9, %mul3A_67 : i32
      %add3A_69 = arith.constant 96 : i32
      %add3A_70 = arith.addi %mul3A_68, %add3A_69 : i32
      %get3A_71 = arith.index_cast %add3A_70 : i32 to index
      %get3A_72 = tpu.vector_load %arg6[%get3A_71] {strides = array<i32>} : memref<5120xi32, #tpu.memory_space<vmem>>, vector<16xi32>,
      %gather3A_73 = tpu.vector_load_idx %arg5[%get3A_72] : memref<100352xi32, #tpu.memory_space<vmem>>[vector<16xi32>], vector<16xi32>,
      %swap3A_74 = arith.index_cast %scan3A_9 : i32 to index
      %swap3A_75 = arith.constant 96 : index
      %swap3A_76 = tpu.vector_load %arg7[%swap3A_74, %swap3A_75] {strides = array<i32>} : memref<40x128xi32, #tpu.memory_space<vmem>>, vector<16xi32>,
      tpu.vector_store %arg7[%swap3A_74, %swap3A_75], %gather3A_73 {strides = array<i32>} : memref<40x128xi32, #tpu.memory_space<vmem>>, vector<16xi32>,
      %mul3A_77 = arith.constant 128 : i32
      %mul3A_78 = arith.muli %scan3A_9, %mul3A_77 : i32
      %add3A_79 = arith.constant 112 : i32
      %add3A_80 = arith.addi %mul3A_78, %add3A_79 : i32
      %get3A_81 = arith.index_cast %add3A_80 : i32 to index
      %get3A_82 = tpu.vector_load %arg6[%get3A_81] {strides = array<i32>} : memref<5120xi32, #tpu.memory_space<vmem>>, vector<16xi32>,
      %gather3A_83 = tpu.vector_load_idx %arg5[%get3A_82] : memref<100352xi32, #tpu.memory_space<vmem>>[vector<16xi32>], vector<16xi32>,
      %swap3A_84 = arith.index_cast %scan3A_9 : i32 to index
      %swap3A_85 = arith.constant 112 : index
      %swap3A_86 = tpu.vector_load %arg7[%swap3A_84, %swap3A_85] {strides = array<i32>} : memref<40x128xi32, #tpu.memory_space<vmem>>, vector<16xi32>,
      tpu.vector_store %arg7[%swap3A_84, %swap3A_85], %gather3A_83 {strides = array<i32>} : memref<40x128xi32, #tpu.memory_space<vmem>>, vector<16xi32>,
    }
    %scan3A_6 = arith.constant 40 : i32
    %mul3A_7 = arith.constant 40 : i32
    %mul3A_8 = arith.muli %add3A, %mul3A_7 : i32
    "tpu.region"() ({
      %run_scoped3A = tpu.sem_alloc : memref<!tpu.dma_semaphore, #tpu.memory_space<semaphore_mem>>
      %dma_start3A = arith.constant 0 : i32
      %dma_start3A_9 = tpu.memref_slice %arg4[%mul3A_8, %dma_start3A] : memref<1280x128xi32, #tpu.memory_space<hbm>> -> memref<40x128xi32, #tpu.memory_space<hbm>>
      %dma_start3A_10 = arith.constant 0 : i32
      %dma_start3A_11 = tpu.memref_slice %arg4[%mul3A_8, %dma_start3A_10] : memref<1280x128xi32, #tpu.memory_space<hbm>> -> memref<40x128xi32, #tpu.memory_space<hbm>>
      tpu.enqueue_dma source(%arg7 : memref<40x128xi32, #tpu.memory_space<vmem>>) target(%dma_start3A_11 : memref<40x128xi32, #tpu.memory_space<hbm>>) target_semaphore(%run_scoped3A : memref<!tpu.dma_semaphore, #tpu.memory_space<semaphore_mem>>)
      %dma_wait3A = arith.constant 0 : i32
      %dma_wait3A_12 = tpu.memref_slice %arg4[%mul3A_8, %dma_wait3A] : memref<1280x128xi32, #tpu.memory_space<hbm>> -> memref<40x128xi32, #tpu.memory_space<hbm>>
      %dma_wait3A_13 = arith.constant 0 : i32
      %dma_wait3A_14 = tpu.memref_slice %arg4[%mul3A_8, %dma_wait3A_13] : memref<1280x128xi32, #tpu.memory_space<hbm>> -> memref<40x128xi32, #tpu.memory_space<hbm>>
      tpu.wait_dma2 semaphore(%run_scoped3A : memref<!tpu.dma_semaphore, #tpu.memory_space<semaphore_mem>>) src(%arg7 : memref<40x128xi32, #tpu.memory_space<vmem>>) dst(%dma_wait3A_14 : memref<40x128xi32, #tpu.memory_space<hbm>>)
      tpu.yield
    }) : () -> ()
    return
  }
}

#map = affine_map<(d0, d1) -> (0)>
module attributes {stable_mosaic.version = 14 : i64} {
  func.func @build(%arg0: i32, %arg1: i32, %arg2: memref<50000xi32, #tpu.memory_space<hbm>>, %arg3: memref<50000xi32, #tpu.memory_space<hbm>>, %arg4: memref<100352xi32, #tpu.memory_space<hbm>>, %arg5: memref<50000xi32, #tpu.memory_space<vmem>>, %arg6: memref<50000xi32, #tpu.memory_space<vmem>>, %arg7: memref<3136xi32, #tpu.memory_space<vmem>>) attributes {dimension_semantics = [#tpu.dimension_semantics<core_parallel>, #tpu.dimension_semantics<subcore_parallel>], iteration_bounds = array<i64: 2, 16>, scalar_prefetch = 0 : i64, scratch_operands = 3 : i64, tpu.core_type = #tpu.core_type<sc_vector_subcore>, window_params = [{transform_indices = #map}, {transform_indices = #map}, {transform_indices = #map}]} {
    %mul3A = arith.constant 2 : i32
    %mul3A_0 = arith.muli %arg1, %mul3A : i32
    %add3A = arith.addi %mul3A_0, %arg0 : i32
    %mul3A_1 = arith.constant 3136 : i32
    %mul3A_2 = arith.muli %add3A, %mul3A_1 : i32
    %scan3A = arith.constant 0 : i32
    %scan3A_3 = arith.constant 196 : i32
    %scan3A_4 = arith.addi %scan3A, %scan3A_3 : i32
    %scan3A_5 = arith.constant 1 : i32
    scf.for %scan3A_12 = %scan3A to %scan3A_4 step %scan3A_5  : i32 {
      %broadcast_in_dim3A = arith.constant 50000 : i32
      %broadcast_in_dim3A_13 = vector.broadcast %broadcast_in_dim3A : i32 to vector<16xi32>
      %mul3A_14 = arith.constant 16 : i32
      %mul3A_15 = arith.muli %scan3A_12, %mul3A_14 : i32
      %swap3A = arith.index_cast %mul3A_15 : i32 to index
      %swap3A_16 = tpu.vector_load %arg7[%swap3A] {strides = array<i32>} : memref<3136xi32, #tpu.memory_space<vmem>>, vector<16xi32>,
      tpu.vector_store %arg7[%swap3A], %broadcast_in_dim3A_13 {strides = array<i32>} : memref<3136xi32, #tpu.memory_space<vmem>>, vector<16xi32>,
    }
    %scan3A_6 = arith.constant 196 : i32
    "tpu.region"() ({
      %run_scoped3A = tpu.sem_alloc : memref<!tpu.dma_semaphore, #tpu.memory_space<semaphore_mem>>
      tpu.enqueue_dma source(%arg2 : memref<50000xi32, #tpu.memory_space<hbm>>) target(%arg5 : memref<50000xi32, #tpu.memory_space<vmem>>) target_semaphore(%run_scoped3A : memref<!tpu.dma_semaphore, #tpu.memory_space<semaphore_mem>>)
      tpu.wait_dma2 semaphore(%run_scoped3A : memref<!tpu.dma_semaphore, #tpu.memory_space<semaphore_mem>>) src(%arg2 : memref<50000xi32, #tpu.memory_space<hbm>>) dst(%arg5 : memref<50000xi32, #tpu.memory_space<vmem>>)
      tpu.yield
    }) : () -> ()
    "tpu.region"() ({
      %run_scoped3A = tpu.sem_alloc : memref<!tpu.dma_semaphore, #tpu.memory_space<semaphore_mem>>
      tpu.enqueue_dma source(%arg3 : memref<50000xi32, #tpu.memory_space<hbm>>) target(%arg6 : memref<50000xi32, #tpu.memory_space<vmem>>) target_semaphore(%run_scoped3A : memref<!tpu.dma_semaphore, #tpu.memory_space<semaphore_mem>>)
      tpu.wait_dma2 semaphore(%run_scoped3A : memref<!tpu.dma_semaphore, #tpu.memory_space<semaphore_mem>>) src(%arg3 : memref<50000xi32, #tpu.memory_space<hbm>>) dst(%arg6 : memref<50000xi32, #tpu.memory_space<vmem>>)
      tpu.yield
    }) : () -> ()
    %scan3A_7 = arith.constant 0 : i32
    %scan3A_8 = arith.constant 3125 : i32
    %scan3A_9 = arith.addi %scan3A_7, %scan3A_8 : i32
    %scan3A_10 = arith.constant 1 : i32
    scf.for %scan3A_12 = %scan3A_7 to %scan3A_9 step %scan3A_10  : i32 {
      %mul3A_13 = arith.constant 16 : i32
      %mul3A_14 = arith.muli %scan3A_12, %mul3A_13 : i32
      %get3A = arith.index_cast %mul3A_14 : i32 to index
      %get3A_15 = tpu.vector_load %arg5[%get3A] {strides = array<i32>} : memref<50000xi32, #tpu.memory_space<vmem>>, vector<16xi32>,
      %ge3A = vector.broadcast %mul3A_2 : i32 to vector<16xi32>
      %ge3A_16 = arith.cmpi sge, %get3A_15, %ge3A : vector<16xi32>
      %add3A_17 = arith.constant 3136 : i32
      %add3A_18 = arith.addi %mul3A_2, %add3A_17 : i32
      %lt3A = vector.broadcast %add3A_18 : i32 to vector<16xi32>
      %lt3A_19 = arith.cmpi slt, %get3A_15, %lt3A : vector<16xi32>
      %and3A = arith.andi %ge3A_16, %lt3A_19 : vector<16xi1>
      %sub3A = vector.broadcast %mul3A_2 : i32 to vector<16xi32>
      %sub3A_20 = arith.subi %get3A_15, %sub3A : vector<16xi32>
      %jit3A = arith.constant 0 : i32
      %broadcast_in_dim3A = vector.broadcast %jit3A : i32 to vector<16xi32>
      %select_n3A = arith.select %and3A, %sub3A_20, %broadcast_in_dim3A : vector<16xi1>, vector<16xi32>
      %mul3A_21 = arith.constant 16 : i32
      %mul3A_22 = arith.muli %scan3A_12, %mul3A_21 : i32
      %get3A_23 = arith.index_cast %mul3A_22 : i32 to index
      %get3A_24 = tpu.vector_load %arg6[%get3A_23] {strides = array<i32>} : memref<50000xi32, #tpu.memory_space<vmem>>, vector<16xi32>,
      tpu.vector_store_idx %arg7[%select_n3A], %get3A_24 masked %and3A : memref<3136xi32, #tpu.memory_space<vmem>>[vector<16xi32>], vector<16xi32>, vector<16xi1>
    }
    %scan3A_11 = arith.constant 3125 : i32
    "tpu.region"() ({
      %run_scoped3A = tpu.sem_alloc : memref<!tpu.dma_semaphore, #tpu.memory_space<semaphore_mem>>
      %dma_start3A = tpu.memref_slice %arg4[%mul3A_2] : memref<100352xi32, #tpu.memory_space<hbm>> -> memref<3136xi32, #tpu.memory_space<hbm>>
      %dma_start3A_12 = tpu.memref_slice %arg4[%mul3A_2] : memref<100352xi32, #tpu.memory_space<hbm>> -> memref<3136xi32, #tpu.memory_space<hbm>>
      tpu.enqueue_dma source(%arg7 : memref<3136xi32, #tpu.memory_space<vmem>>) target(%dma_start3A_12 : memref<3136xi32, #tpu.memory_space<hbm>>) target_semaphore(%run_scoped3A : memref<!tpu.dma_semaphore, #tpu.memory_space<semaphore_mem>>)
      %dma_wait3A = tpu.memref_slice %arg4[%mul3A_2] : memref<100352xi32, #tpu.memory_space<hbm>> -> memref<3136xi32, #tpu.memory_space<hbm>>
      %dma_wait3A_13 = tpu.memref_slice %arg4[%mul3A_2] : memref<100352xi32, #tpu.memory_space<hbm>> -> memref<3136xi32, #tpu.memory_space<hbm>>
      tpu.wait_dma2 semaphore(%run_scoped3A : memref<!tpu.dma_semaphore, #tpu.memory_space<semaphore_mem>>) src(%arg7 : memref<3136xi32, #tpu.memory_space<vmem>>) dst(%dma_wait3A_13 : memref<3136xi32, #tpu.memory_space<hbm>>)
      tpu.yield
    }) : () -> ()
    return
  }
}

module attributes {stable_mosaic.version = 14 : i64} {
  func.func @body(%arg0: i32, %arg1: memref<1x1x2000xi32, #tpu.memory_space<smem>>, %arg2: memref<2000x128xf32, #tpu.memory_space<vmem>>, %arg3: memref<50008x128xf32, #tpu.memory_space<vmem>>, %arg4: memref<128x128xf32, #tpu.memory_space<vmem>>, %arg5: memref<128x128xf32, #tpu.memory_space<vmem>>, %arg6: memref<1x128xf32, #tpu.memory_space<vmem>>, %arg7: memref<2000x128xf32, #tpu.memory_space<vmem>>, %arg8: memref<2000x128xf32, #tpu.memory_space<vmem>>) attributes {dimension_semantics = [#tpu.dimension_semantics<arbitrary>], iteration_bounds = array<i64: 80>, scalar_prefetch = 0 : i64, scratch_operands = 1 : i64, tpu.core_type = #tpu.core_type<tc>, window_params = [{transform_indices = @transform_0, window_bounds = array<i64: 1, 1, 2000>}, {transform_indices = @transform_1, window_bounds = array<i64: 2000, 128>}, {pipeline_mode = #tpu.pipeline_mode<synchronous>, transform_indices = @transform_2, window_bounds = array<i64: 50008, 128>}, {pipeline_mode = #tpu.pipeline_mode<synchronous>, transform_indices = @transform_3, window_bounds = array<i64: 128, 128>}, {pipeline_mode = #tpu.pipeline_mode<synchronous>, transform_indices = @transform_4, window_bounds = array<i64: 128, 128>}, {pipeline_mode = #tpu.pipeline_mode<synchronous>, transform_indices = @transform_5, window_bounds = array<i64: 1, 128>}, {transform_indices = @transform_6, window_bounds = array<i64: 2000, 128>}]} {
    %scan3A = arith.constant 0 : i32
    %scan3A_0 = arith.constant 2000 : i32
    %scan3A_1 = arith.addi %scan3A, %scan3A_0 : i32
    %scan3A_2 = arith.constant 8 : i32
    scf.for %scan3A_27 = %scan3A to %scan3A_1 step %scan3A_2  : i32 {
      %get3A_28 = arith.constant 0 : index
      %get3A_29 = arith.constant 0 : index
      %get3A_30 = arith.index_cast %scan3A_27 : i32 to index
      %get3A_31 = memref.load %arg1[%get3A_28, %get3A_29, %get3A_30] : memref<1x1x2000xi32, #tpu.memory_space<smem>>
      %get3A_32 = arith.index_cast %get3A_31 : i32 to index
      %get3A_33 = arith.constant 0 : index
      %get3A_34 = vector.load %arg3[%get3A_32, %get3A_33] : memref<50008x128xf32, #tpu.memory_space<vmem>>, vector<1x128xf32>
      %swap3A_35 = arith.index_cast %scan3A_27 : i32 to index
      %swap3A_36 = arith.constant 0 : index
      %swap3A_37 = vector.load %arg8[%swap3A_35, %swap3A_36] : memref<2000x128xf32, #tpu.memory_space<vmem>>, vector<1x128xf32>
      tpu.vector_store %arg8[%swap3A_35, %swap3A_36], %get3A_34 {strides = array<i32>} : memref<2000x128xf32, #tpu.memory_space<vmem>>, vector<1x128xf32>,
      %scan3A_38 = arith.constant 1 : i32
      %scan3A_39 = arith.addi %scan3A_27, %scan3A_38 : i32
      %get3A_40 = arith.constant 0 : index
      %get3A_41 = arith.constant 0 : index
      %get3A_42 = arith.index_cast %scan3A_39 : i32 to index
      %get3A_43 = memref.load %arg1[%get3A_40, %get3A_41, %get3A_42] : memref<1x1x2000xi32, #tpu.memory_space<smem>>
      %get3A_44 = arith.index_cast %get3A_43 : i32 to index
      %get3A_45 = arith.constant 0 : index
      %get3A_46 = vector.load %arg3[%get3A_44, %get3A_45] : memref<50008x128xf32, #tpu.memory_space<vmem>>, vector<1x128xf32>
      %swap3A_47 = arith.index_cast %scan3A_39 : i32 to index
      %swap3A_48 = arith.constant 0 : index
      %swap3A_49 = vector.load %arg8[%swap3A_47, %swap3A_48] : memref<2000x128xf32, #tpu.memory_space<vmem>>, vector<1x128xf32>
      tpu.vector_store %arg8[%swap3A_47, %swap3A_48], %get3A_46 {strides = array<i32>} : memref<2000x128xf32, #tpu.memory_space<vmem>>, vector<1x128xf32>,
      %scan3A_50 = arith.constant 2 : i32
      %scan3A_51 = arith.addi %scan3A_27, %scan3A_50 : i32
      %get3A_52 = arith.constant 0 : index
      %get3A_53 = arith.constant 0 : index
      %get3A_54 = arith.index_cast %scan3A_51 : i32 to index
      %get3A_55 = memref.load %arg1[%get3A_52, %get3A_53, %get3A_54] : memref<1x1x2000xi32, #tpu.memory_space<smem>>
      %get3A_56 = arith.index_cast %get3A_55 : i32 to index
      %get3A_57 = arith.constant 0 : index
      %get3A_58 = vector.load %arg3[%get3A_56, %get3A_57] : memref<50008x128xf32, #tpu.memory_space<vmem>>, vector<1x128xf32>
      %swap3A_59 = arith.index_cast %scan3A_51 : i32 to index
      %swap3A_60 = arith.constant 0 : index
      %swap3A_61 = vector.load %arg8[%swap3A_59, %swap3A_60] : memref<2000x128xf32, #tpu.memory_space<vmem>>, vector<1x128xf32>
      tpu.vector_store %arg8[%swap3A_59, %swap3A_60], %get3A_58 {strides = array<i32>} : memref<2000x128xf32, #tpu.memory_space<vmem>>, vector<1x128xf32>,
      %scan3A_62 = arith.constant 3 : i32
      %scan3A_63 = arith.addi %scan3A_27, %scan3A_62 : i32
      %get3A_64 = arith.constant 0 : index
      %get3A_65 = arith.constant 0 : index
      %get3A_66 = arith.index_cast %scan3A_63 : i32 to index
      %get3A_67 = memref.load %arg1[%get3A_64, %get3A_65, %get3A_66] : memref<1x1x2000xi32, #tpu.memory_space<smem>>
      %get3A_68 = arith.index_cast %get3A_67 : i32 to index
      %get3A_69 = arith.constant 0 : index
      %get3A_70 = vector.load %arg3[%get3A_68, %get3A_69] : memref<50008x128xf32, #tpu.memory_space<vmem>>, vector<1x128xf32>
      %swap3A_71 = arith.index_cast %scan3A_63 : i32 to index
      %swap3A_72 = arith.constant 0 : index
      %swap3A_73 = vector.load %arg8[%swap3A_71, %swap3A_72] : memref<2000x128xf32, #tpu.memory_space<vmem>>, vector<1x128xf32>
      tpu.vector_store %arg8[%swap3A_71, %swap3A_72], %get3A_70 {strides = array<i32>} : memref<2000x128xf32, #tpu.memory_space<vmem>>, vector<1x128xf32>,
      %scan3A_74 = arith.constant 4 : i32
      %scan3A_75 = arith.addi %scan3A_27, %scan3A_74 : i32
      %get3A_76 = arith.constant 0 : index
      %get3A_77 = arith.constant 0 : index
      %get3A_78 = arith.index_cast %scan3A_75 : i32 to index
      %get3A_79 = memref.load %arg1[%get3A_76, %get3A_77, %get3A_78] : memref<1x1x2000xi32, #tpu.memory_space<smem>>
      %get3A_80 = arith.index_cast %get3A_79 : i32 to index
      %get3A_81 = arith.constant 0 : index
      %get3A_82 = vector.load %arg3[%get3A_80, %get3A_81] : memref<50008x128xf32, #tpu.memory_space<vmem>>, vector<1x128xf32>
      %swap3A_83 = arith.index_cast %scan3A_75 : i32 to index
      %swap3A_84 = arith.constant 0 : index
      %swap3A_85 = vector.load %arg8[%swap3A_83, %swap3A_84] : memref<2000x128xf32, #tpu.memory_space<vmem>>, vector<1x128xf32>
      tpu.vector_store %arg8[%swap3A_83, %swap3A_84], %get3A_82 {strides = array<i32>} : memref<2000x128xf32, #tpu.memory_space<vmem>>, vector<1x128xf32>,
      %scan3A_86 = arith.constant 5 : i32
      %scan3A_87 = arith.addi %scan3A_27, %scan3A_86 : i32
      %get3A_88 = arith.constant 0 : index
      %get3A_89 = arith.constant 0 : index
      %get3A_90 = arith.index_cast %scan3A_87 : i32 to index
      %get3A_91 = memref.load %arg1[%get3A_88, %get3A_89, %get3A_90] : memref<1x1x2000xi32, #tpu.memory_space<smem>>
      %get3A_92 = arith.index_cast %get3A_91 : i32 to index
      %get3A_93 = arith.constant 0 : index
      %get3A_94 = vector.load %arg3[%get3A_92, %get3A_93] : memref<50008x128xf32, #tpu.memory_space<vmem>>, vector<1x128xf32>
      %swap3A_95 = arith.index_cast %scan3A_87 : i32 to index
      %swap3A_96 = arith.constant 0 : index
      %swap3A_97 = vector.load %arg8[%swap3A_95, %swap3A_96] : memref<2000x128xf32, #tpu.memory_space<vmem>>, vector<1x128xf32>
      tpu.vector_store %arg8[%swap3A_95, %swap3A_96], %get3A_94 {strides = array<i32>} : memref<2000x128xf32, #tpu.memory_space<vmem>>, vector<1x128xf32>,
      %scan3A_98 = arith.constant 6 : i32
      %scan3A_99 = arith.addi %scan3A_27, %scan3A_98 : i32
      %get3A_100 = arith.constant 0 : index
      %get3A_101 = arith.constant 0 : index
      %get3A_102 = arith.index_cast %scan3A_99 : i32 to index
      %get3A_103 = memref.load %arg1[%get3A_100, %get3A_101, %get3A_102] : memref<1x1x2000xi32, #tpu.memory_space<smem>>
      %get3A_104 = arith.index_cast %get3A_103 : i32 to index
      %get3A_105 = arith.constant 0 : index
      %get3A_106 = vector.load %arg3[%get3A_104, %get3A_105] : memref<50008x128xf32, #tpu.memory_space<vmem>>, vector<1x128xf32>
      %swap3A_107 = arith.index_cast %scan3A_99 : i32 to index
      %swap3A_108 = arith.constant 0 : index
      %swap3A_109 = vector.load %arg8[%swap3A_107, %swap3A_108] : memref<2000x128xf32, #tpu.memory_space<vmem>>, vector<1x128xf32>
      tpu.vector_store %arg8[%swap3A_107, %swap3A_108], %get3A_106 {strides = array<i32>} : memref<2000x128xf32, #tpu.memory_space<vmem>>, vector<1x128xf32>,
      %scan3A_110 = arith.constant 7 : i32
      %scan3A_111 = arith.addi %scan3A_27, %scan3A_110 : i32
      %get3A_112 = arith.constant 0 : index
      %get3A_113 = arith.constant 0 : index
      %get3A_114 = arith.index_cast %scan3A_111 : i32 to index
      %get3A_115 = memref.load %arg1[%get3A_112, %get3A_113, %get3A_114] : memref<1x1x2000xi32, #tpu.memory_space<smem>>
      %get3A_116 = arith.index_cast %get3A_115 : i32 to index
      %get3A_117 = arith.constant 0 : index
      %get3A_118 = vector.load %arg3[%get3A_116, %get3A_117] : memref<50008x128xf32, #tpu.memory_space<vmem>>, vector<1x128xf32>
      %swap3A_119 = arith.index_cast %scan3A_111 : i32 to index
      %swap3A_120 = arith.constant 0 : index
      %swap3A_121 = vector.load %arg8[%swap3A_119, %swap3A_120] : memref<2000x128xf32, #tpu.memory_space<vmem>>, vector<1x128xf32>
      tpu.vector_store %arg8[%swap3A_119, %swap3A_120], %get3A_118 {strides = array<i32>} : memref<2000x128xf32, #tpu.memory_space<vmem>>, vector<1x128xf32>,
    }
    %scan3A_3 = arith.constant 2000 : i32
    %get3A = arith.constant 0 : index
    %get3A_4 = arith.constant 0 : index
    %get3A_5 = vector.load %arg2[%get3A, %get3A_4] : memref<2000x128xf32, #tpu.memory_space<vmem>>, vector<2000x128xf32>
    %get3A_6 = arith.constant 0 : index
    %get3A_7 = arith.constant 0 : index
    %get3A_8 = vector.load %arg4[%get3A_6, %get3A_7] : memref<128x128xf32, #tpu.memory_space<vmem>>, vector<128x128xf32>
    %dot_general3A = arith.constant dense<0.000000e+00> : vector<2000x128xf32>
    %dot_general3A_9 = tpu.matmul %get3A_5, %get3A_8, %dot_general3A {dimension_numbers = #tpu.dot_dimension_numbers<[1], [0], [0], [1], [0, 0, 1, 1], [], []>, transpose_lhs_hint = false} : vector<2000x128xf32>, vector<128x128xf32>, vector<2000x128xf32> -> vector<2000x128xf32>
    %get3A_10 = arith.constant 0 : index
    %get3A_11 = arith.constant 0 : index
    %get3A_12 = vector.load %arg8[%get3A_10, %get3A_11] : memref<2000x128xf32, #tpu.memory_space<vmem>>, vector<2000x128xf32>
    %get3A_13 = arith.constant 0 : index
    %get3A_14 = arith.constant 0 : index
    %get3A_15 = vector.load %arg5[%get3A_13, %get3A_14] : memref<128x128xf32, #tpu.memory_space<vmem>>, vector<128x128xf32>
    %dot_general3A_16 = arith.constant dense<0.000000e+00> : vector<2000x128xf32>
    %dot_general3A_17 = tpu.matmul %get3A_12, %get3A_15, %dot_general3A_16 {dimension_numbers = #tpu.dot_dimension_numbers<[1], [0], [0], [1], [0, 0, 1, 1], [], []>, transpose_lhs_hint = false} : vector<2000x128xf32>, vector<128x128xf32>, vector<2000x128xf32> -> vector<2000x128xf32>
    %add3A = arith.addf %dot_general3A_9, %dot_general3A_17 : vector<2000x128xf32>
    %get3A_18 = arith.constant 0 : index
    %get3A_19 = arith.constant 0 : index
    %get3A_20 = vector.load %arg6[%get3A_18, %get3A_19] : memref<1x128xf32, #tpu.memory_space<vmem>>, vector<1x128xf32>
    %add3A_21 = vector.broadcast %get3A_20 : vector<1x128xf32> to vector<2000x128xf32>
    %add3A_22 = arith.addf %add3A, %add3A_21 : vector<2000x128xf32>
    %max3A = arith.constant 0.000000e+00 : f32
    %max3A_23 = vector.broadcast %max3A : f32 to vector<2000x128xf32>
    %max3A_24 = arith.maximumf %add3A_22, %max3A_23 : vector<2000x128xf32>
    %swap3A = arith.constant 0 : index
    %swap3A_25 = arith.constant 0 : index
    %swap3A_26 = vector.load %arg7[%swap3A, %swap3A_25] : memref<2000x128xf32, #tpu.memory_space<vmem>>, vector<2000x128xf32>
    tpu.vector_store %arg7[%swap3A, %swap3A_25], %max3A_24 {strides = array<i32>} : memref<2000x128xf32, #tpu.memory_space<vmem>>, vector<2000x128xf32>,
    return
  }
  func.func @transform_0(%arg0: i32) -> (i32, i32, i32) {
    %c0_i32 = arith.constant 0 : i32
    %c0_i32_0 = arith.constant 0 : i32
    %c0_i32_1 = arith.constant 0 : i32
    return %arg0, %c0_i32, %c0_i32_0 : i32, i32, i32
  }
  func.func @transform_1(%arg0: i32) -> (i32, i32) {
    %c0_i32 = arith.constant 0 : i32
    %c0_i32_0 = arith.constant 0 : i32
    return %arg0, %c0_i32 : i32, i32
  }
  func.func @transform_2(%arg0: i32) -> (i32, i32) {
    %c0_i32 = arith.constant 0 : i32
    %c0_i32_0 = arith.constant 0 : i32
    %c0_i32_1 = arith.constant 0 : i32
    return %c0_i32, %c0_i32_0 : i32, i32
  }
  func.func @transform_3(%arg0: i32) -> (i32, i32) {
    %c0_i32 = arith.constant 0 : i32
    %c0_i32_0 = arith.constant 0 : i32
    %c0_i32_1 = arith.constant 0 : i32
    return %c0_i32, %c0_i32_0 : i32, i32
  }
  func.func @transform_4(%arg0: i32) -> (i32, i32) {
    %c0_i32 = arith.constant 0 : i32
    %c0_i32_0 = arith.constant 0 : i32
    %c0_i32_1 = arith.constant 0 : i32
    return %c0_i32, %c0_i32_0 : i32, i32
  }
  func.func @transform_5(%arg0: i32) -> (i32, i32) {
    %c0_i32 = arith.constant 0 : i32
    %c0_i32_0 = arith.constant 0 : i32
    %c0_i32_1 = arith.constant 0 : i32
    return %c0_i32, %c0_i32_0 : i32, i32
  }
  func.func @transform_6(%arg0: i32) -> (i32, i32) {
    %c0_i32 = arith.constant 0 : i32
    %c0_i32_0 = arith.constant 0 : i32
    return %arg0, %c0_i32 : i32, i32
  }
}

</mosaic_0001>

<sc_bundles>
// kernel: kernel.5.cloned.1.call-start
scs
__scs_entry_jumppad:
0x0: {  	(pc) =	sbr.rel $0x88, $3  }
0x1: {  	(tag) =	ssettag $0x0;
	lr =	simm.s32 $0x1  }
0x2: {  	[smem:$0x3F99] =	sst lr;
	_ =	strace $0xD0000000  }
0x3: {  	_ = 	snop  }
0x4: {  	_ = 	snop  }
0x5: {  	_ = 	snop  }
0x6: {  	_ = 	snop  }
0x7: {  	_ = 	snop  }
__scs_overlays_trampoline_lowered:
0x8: {  	[smem:$0x3FA8] =	sst s0  }
0x9: {  	[smem:$0x3FA9] =	sst s1  }
0xa: {  	[smem:$0x3FAA] =	sst s2  }
0xb: {  	[smem:$0x3FAB] =	sst s3  }
0xc: {  	[smem:$0x3FAC] =	sst s4  }
0xd: {  	[smem:$0x3FAD] =	sst s5  }
0xe: {  	[smem:$0x3FAE] =	sst s6  }
0xf: {  	[smem:$0x3FAF] =	sst s7  }
0x10: {  	[smem:$0x3FB0] =	sst s8  }
0x11: {  	[smem:$0x3FB1] =	sst s9;
	s0 =	simm.s32 @!p0 $0x0  }
0x12: {  	s1 =	sld [smem:$0x3F97];
	s0 =	simm.s32 @p0 $0x1  }
0x13: {  	[smem:$0x3FB2] =	sst s0;
	s0 =	simm.s32 @!p1 $0x0  }
0x14: {  	s2 =	sld [smem:$0x3F96];
	s0 =	simm.s32 @p1 $0x1  }
0x15: {  	[smem:$0x3FB3] =	sst s0;
	s0 =	simm.s32 @!p2 $0x0  }
0x16: {  	s3 =	sld [smem:$0x3FDB];
	s0 =	simm.s32 @p2 $0x1  }
0x17: {  	s4 =	simm.s32 $0x1BF5;
	[smem:$0x3FB5] =	sst s0  }
0x18: {  	s0 =	sld [smem:$0x3F98];
	_ =	swait.ge [sflag:s4], $0x0  }
0x19: {  	s7 =	sld [smem:$0x3F99]  }
0x1a: {  	s8 =	sadd.s32 $0xFFFFE003, lr  }
0x1b: {  	s9 =	sadd.s32 $0xFFFFFEF7, lr;
	s5 =	simm.s32 $0xFFFFFFFF;
	p2 =	slt.u32 s8, $0xFFFFF086  }
0x1c: {  	p1 =	slt.u32 s9, $0xF7A;
	s5 =	simm.s32 @!p2 $0x0  }
0x1d: {  	s5 =	simm.s32 @p1 $0x1;
	p0 =	seq.s32 s7, s2  }
0x1e: {  	s7 =	smul.u32 @!p0 $0xF7A, s2;
	p2 =	seq.s32 @!p0 s5, $0x0  }
0x1f: {  	s9 =	smul.u32 $0xF7A, s1;
	s8 =	simm.s32 @!p0 $0x1BF5;
	p2 =	por !p2, p0  }
0x20: {  	[sflag:s8] =	ssyncset.s32 @!p0 $0xFFFFF086;
	s6 =	sadd.s32 @!p0 s3, s7;
	s7 =	simm.s32 @!p0 $0x108  }
0x21: {  	s3 =	sadd.s32 s3, s9;
	s6 =	sadd.s32 @!p0 $0x88, s6;
	s7 =	simm.s32 @p2 $0x1082  }
0x22: {  	[simem:s7], [sflag:s8] =	dma.local @!p0 [hbm:s6], $0xF7A  }
0x23: {  	s9 =	sor.u32 $0xD0000000, s2;
	s6 =	simm.s32 $0x108;
	_ =	swait.ge @!p0 [sflag:s8], $0x0  }
0x24: {  	s3 =	sadd.s32 $0x88, s3;
	s6 =	simm.s32 @!p1 $0x1082;
	[sflag:s4] =	ssyncset.s32 $0xFFFFF086  }
0x25: {  	[simem:s6], [sflag:s4] =	dma.local [hbm:s3], $0xF7A  }
0x26: {  	[smem:$0x3F99] =	sst s1;
	(tag) =	ssettag s2;
	_ =	strace s9  }
0x27: {  	s1 =	sld [smem:$0x3FA9]  }
0x28: {  	s2 =	sld [smem:$0x3FAA]  }
0x29: {  	s4 =	sld [smem:$0x3FAC]  }
0x2a: {  	p0 =	seq.s32 s5, $0x0;
	s5 =	sld [smem:$0x3FAD]  }
0x2b: {  	s6 =	sld [smem:$0x3FAE]  }
0x2c: {  	s7 =	sld [smem:$0x3FAF]  }
0x2d: {  	s3 =	simm.s32 $0x108;
	s8 =	sld [smem:$0x3FB0]  }
0x2e: {  	s3 =	simm.s32 @!p0 $0x1082;
	s9 =	sld [smem:$0x3FB1]  }
0x2f: {  	lr =	sadd.s32 s0, s3;
	s0 =	sld [smem:$0x3FA8]  }
0x30: {  	s3 =	sld [smem:$0x3FAB]  }
0x31: {  	[smem:$0x3FB4] =	sst s10  }
0x32: {  	s10 =	sld [smem:$0x3FB2];
	_ =	sdelay $0x3  }
0x33: {  	p0 =	seq.s32 s10, $0x1;
	s10 =	sld [smem:$0x3FB4];
	_ =	sdelay $0x3  }
0x34: {  	[smem:$0x3FB4] =	sst s10  }
0x35: {  	s10 =	sld [smem:$0x3FB3];
	_ =	sdelay $0x3  }
0x36: {  	p1 =	seq.s32 s10, $0x1;
	s10 =	sld [smem:$0x3FB4];
	_ =	sdelay $0x3  }
0x37: {  	[smem:$0x3FB4] =	sst s10  }
0x38: {  	s10 =	sld [smem:$0x3FB5]  }
0x39: {  	_ = 	snop;
	(pc) =	sbr.ind lr, $3  }
0x3a: {  	_ = 	snop  }
0x3b: {  	_ = 	snop  }
0x3c: {  	p2 =	seq.s32 s10, $0x1;
	s10 =	sld [smem:$0x3FB4]  }
0x3d: {  	_ =	shalt  }
0x3e: {  	_ =	shalt  }
0x3f: {  	_ =	shalt  }
0x40: {  	_ =	shalt  }
0x41: {  	_ =	shalt  }
0x42: {  	_ =	shalt  }
0x43: {  	_ =	shalt  }
0x44: {  	_ =	shalt  }
0x45: {  	_ =	shalt  }
0x46: {  	_ =	shalt  }
0x47: {  	_ =	shalt  }
0x48: {  	_ =	shalt  }
0x49: {  	_ =	shalt  }
0x4a: {  	_ =	shalt  }
0x4b: {  	_ =	shalt  }
0x4c: {  	_ =	shalt  }
0x4d: {  	_ =	shalt  }
0x4e: {  	_ =	shalt  }
0x4f: {  	_ =	shalt  }
0x50: {  	_ =	shalt  }
0x51: {  	_ =	shalt  }
0x52: {  	_ =	shalt  }
0x53: {  	_ =	shalt  }
0x54: {  	_ =	shalt  }
0x55: {  	_ =	shalt  }
0x56: {  	_ =	shalt  }
0x57: {  	_ =	shalt  }
0x58: {  	_ =	shalt  }
0x59: {  	_ =	shalt  }
0x5a: {  	_ =	shalt  }
0x5b: {  	_ =	shalt  }
0x5c: {  	_ =	shalt  }
0x5d: {  	_ =	shalt  }
0x5e: {  	_ =	shalt  }
0x5f: {  	_ =	shalt  }
0x60: {  	_ =	shalt  }
0x61: {  	_ =	shalt  }
0x62: {  	_ =	shalt  }
0x63: {  	_ =	shalt  }
0x64: {  	_ =	shalt  }
0x65: {  	_ =	shalt  }
0x66: {  	_ =	shalt  }
0x67: {  	_ =	shalt  }
0x68: {  	_ =	shalt  }
0x69: {  	_ =	shalt  }
0x6a: {  	_ =	shalt  }
0x6b: {  	_ =	shalt  }
0x6c: {  	_ =	shalt  }
0x6d: {  	_ =	shalt  }
0x6e: {  	_ =	shalt  }
0x6f: {  	_ =	shalt  }
0x70: {  	_ =	shalt  }
0x71: {  	_ =	shalt  }
0x72: {  	_ =	shalt  }
0x73: {  	_ =	shalt  }
0x74: {  	_ =	shalt  }
0x75: {  	_ =	shalt  }
0x76: {  	_ =	shalt  }
0x77: {  	_ =	shalt  }
0x78: {  	_ =	shalt  }
0x79: {  	_ =	shalt  }
0x7a: {  	_ =	shalt  }
0x7b: {  	_ =	shalt  }
0x7c: {  	_ =	shalt  }
0x7d: {  	_ =	shalt  }
0x7e: {  	_ =	shalt  }
0x7f: {  	_ =	shalt  }
0x80: {  	_ =	shalt  }
0x81: {  	_ =	shalt  }
0x82: {  	_ =	shalt  }
0x83: {  	_ =	shalt  }
0x84: {  	_ =	shalt  }
0x85: {  	_ =	shalt  }
0x86: {  	_ =	shalt  }
0x87: {  	_ =	shalt  }
.Lfunc_end0:
.L_simem_size_0:
called_computation_lowered:
.L_overlay_start_0:
0x88: {  	s2 =	sld [smem:$0x3FD9]  }
0x89: {  	s3 =	sld [smem:$0x3FFE];
	_ =	sdelay $0x1  }
0x8a: {  	s1 =	srdreg.scid  }
0x8b: {  	s0 =	sand.u32 $0x1, s1  }
0x8c: {  	s17 =	sshll.u32 s0, $0xA;
	s2 =	sadd.s32 s3, s2  }
0x8d: {  	s2 =	sadd.s32 s2, s17  }
0x8e: {  	[smem:$0x3FC0] =	sst s2  }
0x8f: {  	_ = 	snop  }
0x90: {  	s2 =	sld [smem:$0x3FC6];
	(tm) =	ssettm $0x1  }
0x91: {  	s18 =	sld [smem:$0x3FFB];
	_ =	sdelay $0x3  }
0x92: {  	_ =	strace s18  }
0x93: {  	s3 =	sld [smem:$0x3FFC];
	_ =	sdelay $0x3  }
0x94: {  	_ =	strace s3  }
0x95: {  	s3 =	sld [smem:$0x3FFD];
	_ =	sdelay $0x3  }
0x96: {  	_ =	strace s3  }
0x97: {  	_ =	strace $0x8FFFFFFF  }
0x98: {  	s19 =	sld [smem:$0x3FDB];
	_ =	sdelay $0x1  }
0x99: {  	s4 =	simm.s32 $_scs_section_size  }
0x9a: {  	s5 =	simm.s32 $_size__tile_overlayer_lowered;
	s6 =	simm.s32 $_tile_overlayer_lowered  }
0x9b: {  	s22 =	simm.s32 $0x1BFF;
	s21 =	sshll.u32 s6, $0x1;
	s3 =	sadd.s32 s4, s19  }
0x9c: {  	s7 =	simm.s32 $0x0;
	s20 =	sshll.u32 s5, $0x1;
	s5 =	sadd.s32 s21, s3  }
0x9d: {  	[timem:s7], [sflag:s22] =	dma.local [hbm:s5], s20  }
0x9e: {  	_ =	swait.ge [sflag:s22], s20  }
0x9f: {  	s4 =	ssub.s32 $0x0, s20;
	[sflag:s22] =	ssyncset.done $0x0  }
0xa0: {  	[sflag:s22] =	ssyncadd.s32 s4;
	_ =	sdelay $0x1  }
0xa1: {  	s23 =	simm.s32 $0x1B8B  }
0xa2: {  	_ =	swait.ge [sflag:s23], $0x1  }
0xa3: {  	[sflag:s23] =	ssyncset.done $0x0  }
0xa4: {  	s25 =	simm.s32 $0x1B8E;
	s24 =	sld [smem:$0x3FFE];
	[sflag:s23] =	ssyncadd.s32 $0xFFFFFFFF  }
0xa5: {  	s26 =	simm.s32 $execute0_lowered;
	[smem:$0x3FD2] =	sst s25  }
0xa6: {  	s5 =	sshll.u32 s26, $0x1;
	_ =	strace $0x80000046;
	[dreg:$0x1] =	wrdreg $0xFFFFFFFF  }
0xa7: {  	s28 =	simm.s32 $_size_execute0_lowered;
	s3 =	sadd.s32 s3, s5;
	[dreg:$0x0] =	wrdreg $0x0  }
0xa8: {  	s5 =	sshll.u32 s28, $0x1;
	[dreg:$0x2] =	wrdreg s3  }
0xa9: {  	[dreg:$0x3] =	wrdreg s5  }
0xaa: {  	[dreg:$0x4] =	wrdreg $0xC0  }
0xab: {  	_ =	task [dreg:s7], $0x5FFFF  }
0xac: {  	[dreg:$0x1] =	wrdreg $0xFFFFFFFF  }
0xad: {  	[dreg:$0x0] =	wrdreg $0x60  }
0xae: {  	[dreg:$0x2] =	wrdreg s24  }
0xaf: {  	[dreg:$0x3] =	wrdreg s2  }
0xb0: {  	[dreg:$0x4] =	wrdreg $0x9  }
0xb1: {  	_ =	task.clear_ibuf [dreg:s7], $0x5FFFF;
	_ =	strace $0x90000046  }
0xb2: {  	s29 =	simm.s32 $0x9;
	_ =	strace $0x80000048  }
0xb3: {  	_ =	swait.ge [sflag:s29], $0x1  }
0xb4: {  	[sflag:s29] =	ssyncadd.s32 $0xFFFFFFFF  }
0xb5: {  	_ =	strace $0x90000048  }
0xb6: {  	_ =	sfence  }
0xb7: {  	s30 =	sld [smem:$0x0];
	_ =	sdelay $0x2  }
0xb8: {  	s31 =	sshll.u32 s1, $0xD;
	s1 =	sshrl.u32 s1, $0x2  }
0xb9: {  	s3 =	sand.u32 $0x4000, s31;
	s1 =	sadd.s32 s1, s30  }
0xba: {  	s0 =	sor.u32 s3, s0;
	s1 =	sshll.u32 s1, $0x11  }
0xbb: {  	s0 =	sor.u32 s1, s0  }
0xbc: {  	s0 =	sadd.s32 $0x8F2B, s0  }
0xbd: {  	[sflag:s0] =	ssyncadd.remote.s32 $0x1  }
0xbe: {  	_ =	sfence.sel $0xFFFF  }
0xbf: {  	[dreg:$0x0] =	wrdreg $0xFFFFFFFF;
	(pc) =	sbr.abs _section_cstart, $3  }
0xc0: {  	[dreg:$0x1] =	wrdreg $0xFFFFFFFF  }
0xc1: {  	_ =	task.clear_ibuf [dreg:s7], $0x2FFFF;
	_ =	strace $0x9FFFFFFF  }
0xc2: {  	(tm) =	ssettm $0x7FFFFFFF  }
0xc3: {  	_ =	shalt  }
tec
execute0_lowered:
.L_overlay_start_1:
0x0: {  	(tag) =	ssettag $0x1  }
0x1: {  	s5 =	rddreg [dreg:$0x0];
	s1 =	srdreg.scid  }
0x2: {  	s0 =	stileid.u32;
	s2 =	rddreg [dreg:$0x1]  }
0x3: {  	s3 =	simm.s32 $0x0;
	s4 =	sand.u32 $0x1, s1;
	s6 =	sshll.u32 s0, $0x1  }
0x4: {  	s10 =	simm.s32 $0x0;
	s1 =	rddreg [dreg:$0x2];
	s6 =	sor.u32 s4, s6  }
0x5: {  	[smem:$0x7FF] =	sst s3;
	s30 =	ssub.s32 $0x2, s4;
	s8 =	smul.u32 $0xC40, s6  }
0x6: {  	_ =	strace $0x80000047;
	s4 =	sadd.s32 $0xC00, s5;
	s9 =	sshrl.u32 s30, $0x1  }
0x7: {  	s6 =	ssub.s32 s30, s9;
	s9 =	simm.s32 $0x18700;
	s7 =	sshrl.u32 s8, $0x3  }
0x8: {  	s31 =	sadd.s32 $0xC40, s8;
	s6 =	smax.u32 s6, $0x1;
	s5 =	sadd.s32 s7, s5  }
0x9: {  	v2 =	vimm.s32 $0xC350;
	v0 =	vmov s8;
	s8 =	simm.s32 $0xC380;
	s7 =	simm.s32 $0x1;
	v1 =	vmov s31;
	s5 =	sadd.s32 $0x2600, s5  }
.LBB2_1:
0xa: {  	s11 =	simm.s32 $0x40;
	s12 =	simm.s32 $0x0  }
.LBB2_2:
0xb: {  	p0 =	sne.s32 s11, $0x30C0;
	[tilespmem:s12+$0x18700] =	vst v2;
	s12 =	smov.u32 s11;
	s11 =	sadd.s32 $0x40, s11  }
.Ltmp0:
0xc: {  	(pc) =	sbr.rel @p0 .LBB2_2-.Ltmp0, $2  }
0xd: {  	_ =	sdelay $0x2  }
0xe: {  	s12 =	sshra.s32 s12, $0x2  }
0xf: {  	[tilespmem:s12+$0x18700] =	vst v2;
	s11 =	simm.s32 $0x0  }
0x10: {  	[tilespmem:s11], [sflag:$0x1] =	stream.linear.gather [hbm4b:s4+s11], $0xC380, $0x38;
	[tilespmem:$0x19380] =	vst v63  }
0x11: {  	_ =	swait.ge [sflag:s7], $0xC380  }
0x12: {  	[sflag:s7] =	ssyncset.done $0x0  }
0x13: {  	[sflag:s7] =	ssyncadd.s32 $0xFFFF3C80  }
0x14: {  	[tilespmem:s8], [sflag:$0x1] =	stream.linear.gather [hbm4b:s2+s11], $0xC380, $0x38;
	[tilespmem:$0x19380] =	vst v63  }
0x15: {  	_ =	swait.ge [sflag:s7], $0xC380  }
0x16: {  	[sflag:s7] =	ssyncset.done $0x0  }
0x17: {  	s12 =	simm.s32 $0x40;
	s11 =	simm.s32 $0x0;
	[sflag:s7] =	ssyncadd.s32 $0xFFFF3C80  }
.LBB2_4:
0x18: {  	p0 =	sne.s32 s12, $0x30D00;
	v3 =	vld [tilespmem:s11+$0x0];
	_ =	sdelay $0x4  }
0x19: {  	vm0 =	vge.s32 v3, v0;
	vm1 =	vlt.s32 v3, v1  }
0x1a: {  	v3 =	vsub.s32 v3, v0;
	vm0 =	vmand vm0, vm1  }
0x1b: {  	v3 =	vnsel vm0, $0x0, v3;
	v4 =	vld [tilespmem:s11+$0xC380]  }
.Ltmp1:
0x1c: {  	(pc) =	sbr.rel @p0 .LBB2_4-.Ltmp1, $2  }
0x1d: {  	_ =	sdelay $0x2  }
0x1e: {  	s11 =	sshra.s32 s12, $0x2;
	s12 =	sadd.s32 $0x40, s12;
	[tilespmem:v3+s9+$0x0] =	vst.idx.msk vm0, v4  }
0x1f: {  	v3 =	vld [tilespmem:s11+$0x0];
	_ =	sdelay $0x4  }
0x20: {  	vm0 =	vge.s32 v3, v0;
	vm1 =	vlt.s32 v3, v1  }
0x21: {  	v3 =	vsub.s32 v3, v0;
	vm0 =	vmand vm0, vm1  }
0x22: {  	v4 =	vld [tilespmem:s11+$0xC380];
	v3 =	vnsel vm0, $0x0, v3;
	_ =	sdelay $0x2  }
0x23: {  	s10 =	sadd.s32 $0x1, s10  }
0x24: {  	p0 =	sne.s32 s10, s6  }
.Ltmp2:
0x25: {  	[tilespmem:v3+s9+$0x0] =	vst.idx.msk vm0, v4;
	(pc) =	sbr.rel @p0 .LBB2_1-.Ltmp2, $4  }
0x26: {  	[hbm4b:s5+s3] =	stream.linear.scatter [tilespmem:s9], [sflag:$0x1], $0xC40, $0x38;
	[tilespmem:$0x19380] =	vst v63  }
0x27: {  	_ =	swait.ge [sflag:s7], $0xC40  }
0x28: {  	[sflag:s7] =	ssyncset.done $0x0  }
0x29: {  	[sflag:s7] =	ssyncadd.s32 $0xFFFFF3C0  }
0x2a: {  	_ =	sfence.sel $0x180000  }
0x2b: {  	[bflag:$0x0] =	sbarrier.arrive $0xFFFF  }
0x2c: {  	p0 =	sne.s32 s0, $0x0;
	_ =	strace $0x90000047  }
0x2d: {  	s0 =	sadd.s32 @!p0 $0x100000, s1;
	[bflag:$0x2] =	sbarrier.arrive $0xFFFF  }
0x2e: {  	[sflag:s0] =	ssyncadd.tile.s32 @!p0 $0x1;
	_ =	shalt  }
.Lfunc_end2:
_tile_overlayer_lowered:
.L_overlay_start_2:
0x2f: {  	(tag) =	ssettag $0x2  }
0x30: {  	s0 =	rddreg [dreg:$0x0];
	s2 =	stileid.u32  }
0x31: {  	s1 =	rddreg [dreg:$0x1];
	p0 =	sne.s32 s2, $0x0  }
0x32: {  	s3 =	rddreg [dreg:$0x2];
	[bflag:$0x3] =	sbarrier.arrive $0xFFFF;
	s2 =	simm.s32 @!p0 $0x1C01  }
0x33: {  	[timem:s3], [sflag:s2] =	dma.local @!p0 [hbm:s0], s1  }
0x34: {  	s0 =	simm.s32 @!p0 $0x1  }
0x35: {  	_ =	swait.ge @!p0 [sflag:s0], s1  }
0x36: {  	s1 =	ssub.s32 @!p0 $0x0, s1;
	[sflag:s0] =	ssyncset.done @!p0 $0x0  }
0x37: {  	[sflag:s0] =	ssyncadd.s32 @!p0 s1  }
0x38: {  	[bflag:$0x3] =	sbarrier.arrive $0xFFFF  }
0x39: {  	_ =	shalt  }

// kernel: kernel.8.cloned.1.call-start
scs
__scs_entry_jumppad:
0x0: {  	(pc) =	sbr.rel $0x88, $3  }
0x1: {  	(tag) =	ssettag $0x0;
	lr =	simm.s32 $0x1  }
0x2: {  	[smem:$0x3F99] =	sst lr;
	_ =	strace $0xD0000000  }
0x3: {  	_ = 	snop  }
0x4: {  	_ = 	snop  }
0x5: {  	_ = 	snop  }
0x6: {  	_ = 	snop  }
0x7: {  	_ = 	snop  }
__scs_overlays_trampoline_lowered:
0x8: {  	[smem:$0x3FA8] =	sst s0  }
0x9: {  	[smem:$0x3FA9] =	sst s1  }
0xa: {  	[smem:$0x3FAA] =	sst s2  }
0xb: {  	[smem:$0x3FAB] =	sst s3  }
0xc: {  	[smem:$0x3FAC] =	sst s4  }
0xd: {  	[smem:$0x3FAD] =	sst s5  }
0xe: {  	[smem:$0x3FAE] =	sst s6  }
0xf: {  	[smem:$0x3FAF] =	sst s7  }
0x10: {  	[smem:$0x3FB0] =	sst s8  }
0x11: {  	[smem:$0x3FB1] =	sst s9;
	s0 =	simm.s32 @!p0 $0x0  }
0x12: {  	s1 =	sld [smem:$0x3F97];
	s0 =	simm.s32 @p0 $0x1  }
0x13: {  	[smem:$0x3FB2] =	sst s0;
	s0 =	simm.s32 @!p1 $0x0  }
0x14: {  	s2 =	sld [smem:$0x3F96];
	s0 =	simm.s32 @p1 $0x1  }
0x15: {  	[smem:$0x3FB3] =	sst s0;
	s0 =	simm.s32 @!p2 $0x0  }
0x16: {  	s3 =	sld [smem:$0x3FDB];
	s0 =	simm.s32 @p2 $0x1  }
0x17: {  	s4 =	simm.s32 $0x1BF5;
	[smem:$0x3FB5] =	sst s0  }
0x18: {  	s0 =	sld [smem:$0x3F98];
	_ =	swait.ge [sflag:s4], $0x0  }
0x19: {  	s7 =	sld [smem:$0x3F99]  }
0x1a: {  	s8 =	sadd.s32 $0xFFFFE003, lr  }
0x1b: {  	s9 =	sadd.s32 $0xFFFFFEF7, lr;
	s5 =	simm.s32 $0xFFFFFFFF;
	p2 =	slt.u32 s8, $0xFFFFF086  }
0x1c: {  	p1 =	slt.u32 s9, $0xF7A;
	s5 =	simm.s32 @!p2 $0x0  }
0x1d: {  	s5 =	simm.s32 @p1 $0x1;
	p0 =	seq.s32 s7, s2  }
0x1e: {  	s7 =	smul.u32 @!p0 $0xF7A, s2;
	p2 =	seq.s32 @!p0 s5, $0x0  }
0x1f: {  	s9 =	smul.u32 $0xF7A, s1;
	s8 =	simm.s32 @!p0 $0x1BF5;
	p2 =	por !p2, p0  }
0x20: {  	[sflag:s8] =	ssyncset.s32 @!p0 $0xFFFFF086;
	s6 =	sadd.s32 @!p0 s3, s7;
	s7 =	simm.s32 @!p0 $0x108  }
0x21: {  	s3 =	sadd.s32 s3, s9;
	s6 =	sadd.s32 @!p0 $0x88, s6;
	s7 =	simm.s32 @p2 $0x1082  }
0x22: {  	[simem:s7], [sflag:s8] =	dma.local @!p0 [hbm:s6], $0xF7A  }
0x23: {  	s9 =	sor.u32 $0xD0000000, s2;
	s6 =	simm.s32 $0x108;
	_ =	swait.ge @!p0 [sflag:s8], $0x0  }
0x24: {  	s3 =	sadd.s32 $0x88, s3;
	s6 =	simm.s32 @!p1 $0x1082;
	[sflag:s4] =	ssyncset.s32 $0xFFFFF086  }
0x25: {  	[simem:s6], [sflag:s4] =	dma.local [hbm:s3], $0xF7A  }
0x26: {  	[smem:$0x3F99] =	sst s1;
	(tag) =	ssettag s2;
	_ =	strace s9  }
0x27: {  	s1 =	sld [smem:$0x3FA9]  }
0x28: {  	s2 =	sld [smem:$0x3FAA]  }
0x29: {  	s4 =	sld [smem:$0x3FAC]  }
0x2a: {  	p0 =	seq.s32 s5, $0x0;
	s5 =	sld [smem:$0x3FAD]  }
0x2b: {  	s6 =	sld [smem:$0x3FAE]  }
0x2c: {  	s7 =	sld [smem:$0x3FAF]  }
0x2d: {  	s3 =	simm.s32 $0x108;
	s8 =	sld [smem:$0x3FB0]  }
0x2e: {  	s3 =	simm.s32 @!p0 $0x1082;
	s9 =	sld [smem:$0x3FB1]  }
0x2f: {  	lr =	sadd.s32 s0, s3;
	s0 =	sld [smem:$0x3FA8]  }
0x30: {  	s3 =	sld [smem:$0x3FAB]  }
0x31: {  	[smem:$0x3FB4] =	sst s10  }
0x32: {  	s10 =	sld [smem:$0x3FB2];
	_ =	sdelay $0x3  }
0x33: {  	p0 =	seq.s32 s10, $0x1;
	s10 =	sld [smem:$0x3FB4];
	_ =	sdelay $0x3  }
0x34: {  	[smem:$0x3FB4] =	sst s10  }
0x35: {  	s10 =	sld [smem:$0x3FB3];
	_ =	sdelay $0x3  }
0x36: {  	p1 =	seq.s32 s10, $0x1;
	s10 =	sld [smem:$0x3FB4];
	_ =	sdelay $0x3  }
0x37: {  	[smem:$0x3FB4] =	sst s10  }
0x38: {  	s10 =	sld [smem:$0x3FB5]  }
0x39: {  	_ = 	snop;
	(pc) =	sbr.ind lr, $3  }
0x3a: {  	_ = 	snop  }
0x3b: {  	_ = 	snop  }
0x3c: {  	p2 =	seq.s32 s10, $0x1;
	s10 =	sld [smem:$0x3FB4]  }
0x3d: {  	_ =	shalt  }
0x3e: {  	_ =	shalt  }
0x3f: {  	_ =	shalt  }
0x40: {  	_ =	shalt  }
0x41: {  	_ =	shalt  }
0x42: {  	_ =	shalt  }
0x43: {  	_ =	shalt  }
0x44: {  	_ =	shalt  }
0x45: {  	_ =	shalt  }
0x46: {  	_ =	shalt  }
0x47: {  	_ =	shalt  }
0x48: {  	_ =	shalt  }
0x49: {  	_ =	shalt  }
0x4a: {  	_ =	shalt  }
0x4b: {  	_ =	shalt  }
0x4c: {  	_ =	shalt  }
0x4d: {  	_ =	shalt  }
0x4e: {  	_ =	shalt  }
0x4f: {  	_ =	shalt  }
0x50: {  	_ =	shalt  }
0x51: {  	_ =	shalt  }
0x52: {  	_ =	shalt  }
0x53: {  	_ =	shalt  }
0x54: {  	_ =	shalt  }
0x55: {  	_ =	shalt  }
0x56: {  	_ =	shalt  }
0x57: {  	_ =	shalt  }
0x58: {  	_ =	shalt  }
0x59: {  	_ =	shalt  }
0x5a: {  	_ =	shalt  }
0x5b: {  	_ =	shalt  }
0x5c: {  	_ =	shalt  }
0x5d: {  	_ =	shalt  }
0x5e: {  	_ =	shalt  }
0x5f: {  	_ =	shalt  }
0x60: {  	_ =	shalt  }
0x61: {  	_ =	shalt  }
0x62: {  	_ =	shalt  }
0x63: {  	_ =	shalt  }
0x64: {  	_ =	shalt  }
0x65: {  	_ =	shalt  }
0x66: {  	_ =	shalt  }
0x67: {  	_ =	shalt  }
0x68: {  	_ =	shalt  }
0x69: {  	_ =	shalt  }
0x6a: {  	_ =	shalt  }
0x6b: {  	_ =	shalt  }
0x6c: {  	_ =	shalt  }
0x6d: {  	_ =	shalt  }
0x6e: {  	_ =	shalt  }
0x6f: {  	_ =	shalt  }
0x70: {  	_ =	shalt  }
0x71: {  	_ =	shalt  }
0x72: {  	_ =	shalt  }
0x73: {  	_ =	shalt  }
0x74: {  	_ =	shalt  }
0x75: {  	_ =	shalt  }
0x76: {  	_ =	shalt  }
0x77: {  	_ =	shalt  }
0x78: {  	_ =	shalt  }
0x79: {  	_ =	shalt  }
0x7a: {  	_ =	shalt  }
0x7b: {  	_ =	shalt  }
0x7c: {  	_ =	shalt  }
0x7d: {  	_ =	shalt  }
0x7e: {  	_ =	shalt  }
0x7f: {  	_ =	shalt  }
0x80: {  	_ =	shalt  }
0x81: {  	_ =	shalt  }
0x82: {  	_ =	shalt  }
0x83: {  	_ =	shalt  }
0x84: {  	_ =	shalt  }
0x85: {  	_ =	shalt  }
0x86: {  	_ =	shalt  }
0x87: {  	_ =	shalt  }
.Lfunc_end0:
.L_simem_size_0:
called_computation.1_lowered:
.L_overlay_start_0:
0x88: {  	s2 =	sld [smem:$0x3FD9]  }
0x89: {  	s3 =	sld [smem:$0x3FFE];
	_ =	sdelay $0x1  }
0x8a: {  	s1 =	srdreg.scid  }
0x8b: {  	s0 =	sand.u32 $0x1, s1  }
0x8c: {  	s17 =	sshll.u32 s0, $0xA;
	s2 =	sadd.s32 s3, s2  }
0x8d: {  	s2 =	sadd.s32 s2, s17  }
0x8e: {  	[smem:$0x3FC0] =	sst s2  }
0x8f: {  	_ = 	snop  }
0x90: {  	s2 =	sld [smem:$0x3FD0];
	(tm) =	ssettm $0x1  }
0x91: {  	s18 =	sld [smem:$0x3FFB];
	_ =	sdelay $0x3  }
0x92: {  	_ =	strace s18  }
0x93: {  	s3 =	sld [smem:$0x3FFC];
	_ =	sdelay $0x3  }
0x94: {  	_ =	strace s3  }
0x95: {  	s3 =	sld [smem:$0x3FFD];
	_ =	sdelay $0x3  }
0x96: {  	_ =	strace s3  }
0x97: {  	_ =	strace $0x8FFFFFFF  }
0x98: {  	s19 =	sld [smem:$0x3FDB];
	_ =	sdelay $0x1  }
0x99: {  	s4 =	simm.s32 $_scs_section_size  }
0x9a: {  	s5 =	simm.s32 $_size__tile_overlayer_lowered;
	s6 =	simm.s32 $_tile_overlayer_lowered  }
0x9b: {  	s22 =	simm.s32 $0x1BFF;
	s21 =	sshll.u32 s6, $0x1;
	s3 =	sadd.s32 s4, s19  }
0x9c: {  	s7 =	simm.s32 $0x0;
	s20 =	sshll.u32 s5, $0x1;
	s5 =	sadd.s32 s21, s3  }
0x9d: {  	[timem:s7], [sflag:s22] =	dma.local [hbm:s5], s20  }
0x9e: {  	_ =	swait.ge [sflag:s22], s20  }
0x9f: {  	s4 =	ssub.s32 $0x0, s20;
	[sflag:s22] =	ssyncset.done $0x0  }
0xa0: {  	[sflag:s22] =	ssyncadd.s32 s4;
	_ =	sdelay $0x1  }
0xa1: {  	s23 =	simm.s32 $0x1B8B  }
0xa2: {  	_ =	swait.ge [sflag:s23], $0x1  }
0xa3: {  	[sflag:s23] =	ssyncset.done $0x0  }
0xa4: {  	s25 =	simm.s32 $0x1B8E;
	s24 =	sld [smem:$0x3FFE];
	[sflag:s23] =	ssyncadd.s32 $0xFFFFFFFF  }
0xa5: {  	s26 =	simm.s32 $execute0_lowered;
	[smem:$0x3FD2] =	sst s25  }
0xa6: {  	s5 =	sshll.u32 s26, $0x1;
	_ =	strace $0x80000049;
	[dreg:$0x1] =	wrdreg $0xFFFFFFFF  }
0xa7: {  	s28 =	simm.s32 $_size_execute0_lowered;
	s3 =	sadd.s32 s3, s5;
	[dreg:$0x0] =	wrdreg $0x0  }
0xa8: {  	s5 =	sshll.u32 s28, $0x1;
	[dreg:$0x2] =	wrdreg s3  }
0xa9: {  	[dreg:$0x3] =	wrdreg s5  }
0xaa: {  	[dreg:$0x4] =	wrdreg $0xC0  }
0xab: {  	_ =	task [dreg:s7], $0x5FFFF  }
0xac: {  	[dreg:$0x1] =	wrdreg $0xFFFFFFFF  }
0xad: {  	[dreg:$0x0] =	wrdreg $0x60  }
0xae: {  	[dreg:$0x2] =	wrdreg s24  }
0xaf: {  	[dreg:$0x3] =	wrdreg s2  }
0xb0: {  	[dreg:$0x4] =	wrdreg $0x9  }
0xb1: {  	_ =	task.clear_ibuf [dreg:s7], $0x5FFFF;
	_ =	strace $0x90000049  }
0xb2: {  	s29 =	simm.s32 $0x9;
	_ =	strace $0x8000004B  }
0xb3: {  	_ =	swait.ge [sflag:s29], $0x1  }
0xb4: {  	[sflag:s29] =	ssyncadd.s32 $0xFFFFFFFF  }
0xb5: {  	_ =	strace $0x9000004B  }
0xb6: {  	_ =	sfence  }
0xb7: {  	s30 =	sld [smem:$0x0];
	_ =	sdelay $0x2  }
0xb8: {  	s31 =	sshll.u32 s1, $0xD;
	s1 =	sshrl.u32 s1, $0x2  }
0xb9: {  	s3 =	sand.u32 $0x4000, s31;
	s1 =	sadd.s32 s1, s30  }
0xba: {  	s0 =	sor.u32 s3, s0;
	s1 =	sshll.u32 s1, $0x11  }
0xbb: {  	s0 =	sor.u32 s1, s0  }
0xbc: {  	s0 =	sadd.s32 $0x8F2B, s0  }
0xbd: {  	[sflag:s0] =	ssyncadd.remote.s32 $0x1  }
0xbe: {  	_ =	sfence.sel $0xFFFF  }
0xbf: {  	[dreg:$0x0] =	wrdreg $0xFFFFFFFF;
	(pc) =	sbr.abs _section_cstart, $3  }
0xc0: {  	[dreg:$0x1] =	wrdreg $0xFFFFFFFF  }
0xc1: {  	_ =	task.clear_ibuf [dreg:s7], $0x2FFFF;
	_ =	strace $0x9FFFFFFF  }
0xc2: {  	(tm) =	ssettm $0x7FFFFFFF  }
0xc3: {  	_ =	shalt  }
tec
execute0_lowered:
.L_overlay_start_1:
0x0: {  	(tag) =	ssettag $0x1  }
0x1: {  	s4 =	rddreg [dreg:$0x0]  }
0x2: {  	s1 =	srdreg.scid;
	s0 =	stileid.u32  }
0x3: {  	s5 =	rddreg [dreg:$0x1];
	s2 =	simm.s32 $0x0;
	s10 =	simm.s32 $0x0  }
0x4: {  	s3 =	sand.u32 $0x1, s1;
	s6 =	sshll.u32 s0, $0x1;
	s1 =	rddreg [dreg:$0x2]  }
0x5: {  	[smem:$0x7FF] =	sst s2;
	s6 =	sor.u32 s3, s6;
	s7 =	ssub.s32 $0x2, s3  }
0x6: {  	_ =	strace $0x8000004A;
	s6 =	smul.u32 $0x280, s6;
	s8 =	sshrl.u32 s7, $0x1  }
0x7: {  	s3 =	sadd.s32 $0x2600, s4;
	s7 =	ssub.s32 s7, s8;
	s8 =	simm.s32 $0x18800  }
0x8: {  	s9 =	sadd.s32 s6, s4;
	s4 =	sadd.s32 s5, s6;
	s6 =	smax.u32 s7, $0x1  }
0x9: {  	s7 =	simm.s32 $0x1;
	s5 =	sadd.s32 $0x5800, s9;
	s9 =	simm.s32 $0x19C00  }
.LBB2_1:
0xa: {  	[tilespmem:s2], [sflag:$0x1] =	stream.linear.gather [hbm4b:s3+s2], $0x18800, $0x38;
	[tilespmem:$0x1B000] =	vst v63  }
0xb: {  	_ =	swait.ge [sflag:s7], $0x18800  }
0xc: {  	[sflag:s7] =	ssyncset.done $0x0  }
0xd: {  	[sflag:s7] =	ssyncadd.s32 $0xFFFE7800  }
0xe: {  	[tilespmem:s8], [sflag:$0x1] =	stream.linear.gather [hbm4b:s4+s2], $0x1400, $0x38;
	[tilespmem:$0x1B000] =	vst v63  }
0xf: {  	_ =	swait.ge [sflag:s7], $0x1400  }
0x10: {  	[sflag:s7] =	ssyncset.done $0x0  }
0x11: {  	s11 =	simm.s32 $0x0;
	[sflag:s7] =	ssyncadd.s32 $0xFFFFEC00  }
0x12: {  	v0 =	vld [tilespmem:s11+$0x18800];
	_ =	sdelay $0x5  }
0x13: {  	v1 =	vld [tilespmem:s11+$0x18810];
	_ =	sdelay $0x1  }
0x14: {  	v0 =	vld.idx.msk [tilespmem:v0+s2+$0x0], $0xffff;
	_ =	sdelay $0x4  }
0x15: {  	[tilespmem:s11+$0x19C00] =	vst v0;
	v0 =	vld [tilespmem:s11+$0x18820]  }
0x16: {  	v1 =	vld.idx.msk [tilespmem:v1+s2+$0x0], $0xffff;
	_ =	sdelay $0x4  }
0x17: {  	[tilespmem:s11+$0x19C10] =	vst v1;
	v1 =	vld [tilespmem:s11+$0x18830];
	_ =	sdelay $0x1  }
0x18: {  	v0 =	vld.idx.msk [tilespmem:v0+s2+$0x0], $0xffff;
	_ =	sdelay $0x4  }
0x19: {  	[tilespmem:s11+$0x19C20] =	vst v0;
	v0 =	vld [tilespmem:s11+$0x18840]  }
0x1a: {  	v1 =	vld.idx.msk [tilespmem:v1+s2+$0x0], $0xffff;
	_ =	sdelay $0x4  }
0x1b: {  	[tilespmem:s11+$0x19C30] =	vst v1;
	v1 =	vld [tilespmem:s11+$0x18850];
	_ =	sdelay $0x1  }
0x1c: {  	v0 =	vld.idx.msk [tilespmem:v0+s2+$0x0], $0xffff;
	_ =	sdelay $0x4  }
0x1d: {  	v2 =	vld [tilespmem:s11+$0x18860];
	[tilespmem:s11+$0x19C40] =	vst v0  }
0x1e: {  	v0 =	vld.idx.msk [tilespmem:v1+s2+$0x0], $0xffff;
	_ =	sdelay $0x4  }
0x1f: {  	[tilespmem:s11+$0x19C50] =	vst v0;
	v0 =	vld [tilespmem:s11+$0x18870];
	_ =	sdelay $0x1  }
0x20: {  	v1 =	vld.idx.msk [tilespmem:v2+s2+$0x0], $0xffff;
	_ =	sdelay $0x3  }
0x21: {  	s13 =	simm.s32 $0x80;
	s12 =	simm.s32 $0x400  }
.LBB2_2:
0x22: {  	p0 =	sne.s32 s12, $0x4E00;
	v2 =	vld [tilespmem:s13+$0x18800];
	[tilespmem:s11+$0x19C60] =	vst v1  }
0x23: {  	v0 =	vld.idx.msk [tilespmem:v0+s2+$0x0], $0xffff;
	_ =	sdelay $0x5  }
0x24: {  	v1 =	vld [tilespmem:s13+$0x18810];
	[tilespmem:s11+$0x19C70] =	vst v0;
	s11 =	smov.u32 s13  }
0x25: {  	v0 =	vld.idx.msk [tilespmem:v2+s2+$0x0], $0xffff;
	_ =	sdelay $0x5  }
0x26: {  	[tilespmem:s11+$0x19C00] =	vst v0;
	v0 =	vld [tilespmem:s11+$0x18820]  }
0x27: {  	v1 =	vld.idx.msk [tilespmem:v1+s2+$0x0], $0xffff;
	_ =	sdelay $0x5  }
0x28: {  	[tilespmem:s11+$0x19C10] =	vst v1;
	v1 =	vld [tilespmem:s11+$0x18830]  }
0x29: {  	v0 =	vld.idx.msk [tilespmem:v0+s2+$0x0], $0xffff;
	_ =	sdelay $0x5  }
0x2a: {  	[tilespmem:s11+$0x19C20] =	vst v0;
	v0 =	vld [tilespmem:s11+$0x18840]  }
0x2b: {  	v1 =	vld.idx.msk [tilespmem:v1+s2+$0x0], $0xffff;
	_ =	sdelay $0x5  }
0x2c: {  	[tilespmem:s11+$0x19C30] =	vst v1;
	v1 =	vld [tilespmem:s11+$0x18850]  }
0x2d: {  	v0 =	vld.idx.msk [tilespmem:v0+s2+$0x0], $0xffff;
	_ =	sdelay $0x5  }
0x2e: {  	[tilespmem:s11+$0x19C40] =	vst v0;
	v2 =	vld [tilespmem:s11+$0x18860]  }
0x2f: {  	v0 =	vld.idx.msk [tilespmem:v1+s2+$0x0], $0xffff;
	_ =	sdelay $0x5  }
0x30: {  	[tilespmem:s11+$0x19C50] =	vst v0;
	v0 =	vld [tilespmem:s11+$0x18870]  }
0x31: {  	v1 =	vld.idx.msk [tilespmem:v2+s2+$0x0], $0xffff  }
.Ltmp0:
0x32: {  	(pc) =	sbr.rel @p0 .LBB2_2-.Ltmp0, $2  }
0x33: {  	_ =	sdelay $0x2  }
0x34: {  	s13 =	sshra.s32 s12, $0x2;
	s12 =	sadd.s32 $0x200, s12  }
0x35: {  	_ =	sdelay $0x1  }
0x36: {  	v2 =	vld [tilespmem:s13+$0x18800]  }
0x37: {  	[tilespmem:s11+$0x19C60] =	vst v1  }
0x38: {  	v0 =	vld.idx.msk [tilespmem:v0+s2+$0x0], $0xffff;
	_ =	sdelay $0x3  }
0x39: {  	v1 =	vld [tilespmem:s13+$0x18810]  }
0x3a: {  	[tilespmem:s11+$0x19C70] =	vst v0  }
0x3b: {  	v0 =	vld.idx.msk [tilespmem:v2+s2+$0x0], $0xffff;
	_ =	sdelay $0x3  }
0x3c: {  	v58 =	vld [tilespmem:s13+$0x18820]  }
0x3d: {  	[tilespmem:s13+$0x19C00] =	vst v0  }
0x3e: {  	v1 =	vld.idx.msk [tilespmem:v1+s2+$0x0], $0xffff;
	_ =	sdelay $0x3  }
0x3f: {  	v59 =	vld [tilespmem:s13+$0x18830]  }
0x40: {  	[tilespmem:s13+$0x19C10] =	vst v1  }
0x41: {  	v0 =	vld.idx.msk [tilespmem:v58+s2+$0x0], $0xffff;
	_ =	sdelay $0x3  }
0x42: {  	v60 =	vld [tilespmem:s13+$0x18840]  }
0x43: {  	[tilespmem:s13+$0x19C20] =	vst v0  }
0x44: {  	v1 =	vld.idx.msk [tilespmem:v59+s2+$0x0], $0xffff;
	_ =	sdelay $0x3  }
0x45: {  	v61 =	vld [tilespmem:s13+$0x18850]  }
0x46: {  	[tilespmem:s13+$0x19C30] =	vst v1  }
0x47: {  	v0 =	vld.idx.msk [tilespmem:v60+s2+$0x0], $0xffff;
	_ =	sdelay $0x3  }
0x48: {  	v62 =	vld [tilespmem:s13+$0x18860]  }
0x49: {  	[tilespmem:s13+$0x19C40] =	vst v0  }
0x4a: {  	v1 =	vld.idx.msk [tilespmem:v61+s2+$0x0], $0xffff;
	_ =	sdelay $0x3  }
0x4b: {  	v63 =	vld [tilespmem:s13+$0x18870]  }
0x4c: {  	[tilespmem:s13+$0x19C50] =	vst v1  }
0x4d: {  	v0 =	vld.idx.msk [tilespmem:v62+s2+$0x0], $0xffff;
	_ =	sdelay $0x4  }
0x4e: {  	[tilespmem:s13+$0x19C60] =	vst v0  }
0x4f: {  	v0 =	vld.idx.msk [tilespmem:v63+s2+$0x0], $0xffff;
	_ =	sdelay $0x2  }
0x50: {  	s10 =	sadd.s32 $0x1, s10  }
0x51: {  	p0 =	sne.s32 s10, s6  }
.Ltmp1:
0x52: {  	[tilespmem:s13+$0x19C70] =	vst v0;
	(pc) =	sbr.rel @p0 .LBB2_1-.Ltmp1, $4  }
0x53: {  	[hbm4b:s5+s2] =	stream.linear.scatter [tilespmem:s9], [sflag:$0x1], $0x1400, $0x38;
	[tilespmem:$0x1B000] =	vst v63  }
0x54: {  	_ =	swait.ge [sflag:s7], $0x1400  }
0x55: {  	[sflag:s7] =	ssyncset.done $0x0  }
0x56: {  	[sflag:s7] =	ssyncadd.s32 $0xFFFFEC00  }
0x57: {  	_ =	sfence.sel $0x180000  }
0x58: {  	[bflag:$0x0] =	sbarrier.arrive $0xFFFF  }
0x59: {  	p0 =	sne.s32 s0, $0x0;
	_ =	strace $0x9000004A  }
0x5a: {  	s0 =	sadd.s32 @!p0 $0x100000, s1;
	[bflag:$0x2] =	sbarrier.arrive $0xFFFF  }
0x5b: {  	[sflag:s0] =	ssyncadd.tile.s32 @!p0 $0x1;
	_ =	shalt  }
.Lfunc_end2:
_tile_overlayer_lowered:
.L_overlay_start_2:
0x5c: {  	(tag) =	ssettag $0x2  }
0x5d: {  	s0 =	rddreg [dreg:$0x0];
	s2 =	stileid.u32  }
0x5e: {  	s1 =	rddreg [dreg:$0x1];
	p0 =	sne.s32 s2, $0x0  }
0x5f: {  	s3 =	rddreg [dreg:$0x2];
	[bflag:$0x3] =	sbarrier.arrive $0xFFFF;
	s2 =	simm.s32 @!p0 $0x1C01  }
0x60: {  	[timem:s3], [sflag:s2] =	dma.local @!p0 [hbm:s0], s1  }
0x61: {  	s0 =	simm.s32 @!p0 $0x1  }
0x62: {  	_ =	swait.ge @!p0 [sflag:s0], s1  }
0x63: {  	s1 =	ssub.s32 @!p0 $0x0, s1;
	[sflag:s0] =	ssyncset.done @!p0 $0x0  }
0x64: {  	[sflag:s0] =	ssyncadd.s32 @!p0 s1  }
0x65: {  	[bflag:$0x3] =	sbarrier.arrive $0xFFFF  }
0x66: {  	_ =	shalt  }

</sc_bundles>
